<compile_context>
chip_gen: v7x
topology: tpu7x:2x2x1
jax: 0.10.2.dev20260603
libtpu: 0.0.44.dev20260713+nightly
codegen_flags: <defaults>
</compile_context>

<pallas_src>
import functools

import jax
import jax.numpy as jnp
from jax import lax
from jax.experimental import pallas as pl
from jax.experimental.pallas import tpu as pltpu
from jax.experimental.pallas import tpu_sc as plsc

_NC = 2
_NS = 16
_NW = _NC * _NS


def _pick_chunk_rows(per_w):
    for ch in range(128, 0, -8):
        if per_w % ch == 0 and (per_w // ch) % 2 == 0:
            return ch
    raise ValueError(per_w)


@functools.lru_cache(maxsize=None)
def _make_gather(V, D, N, _CH):
    per_w = N // _NW
    nch = per_w // _CH
    mesh = plsc.VectorSubcoreMesh(core_axis_name="c", subcore_axis_name="s")

    assert nch % 2 == 0

    @functools.partial(
        pl.kernel,
        mesh=mesh,
        out_type=jax.ShapeDtypeStruct((N, D), jnp.float32),
        scratch_types=[
            pltpu.VMEM((nch, _CH), jnp.int32),
            pltpu.VMEM((2, _CH, D), jnp.float32),
            pltpu.SemaphoreType.DMA,
            pltpu.SemaphoreType.DMA,
        ],
    )
    def gather_k(idx_hbm, table_hbm, out_hbm, idx_v, rows_v, sem0, sem1):
        wid = lax.axis_index("s") * _NC + lax.axis_index("c")
        pltpu.sync_copy(idx_hbm.at[wid], idx_v)
        base = wid * per_w
        sems = (sem0, sem1)

        def start(i, b):
            pltpu.make_async_copy(
                table_hbm.at[idx_v.at[i]], rows_v.at[b], sems[b]).start()

        def drain(i, b):
            pltpu.make_async_copy(
                table_hbm.at[idx_v.at[i]], rows_v.at[b], sems[b]).wait()
            pltpu.sync_copy(rows_v.at[b],
                            out_hbm.at[pl.ds(base + i * _CH, _CH)])

        start(0, 0)
        half = nch // 2

        def body(j, carry):
            start(2 * j + 1, 1)
            drain(2 * j, 0)

            @pl.when(j < half - 1)
            def _():
                start(2 * j + 2, 0)

            drain(2 * j + 1, 1)
            return carry

        lax.fori_loop(0, half, body, 0)

    return gather_k


def _dense_body(L, BB, x_ref, S_ref, W1_ref, W2_ref, Wc_ref, o_ref):
    x = x_ref[...]
    u = jnp.dot(x.astype(jnp.bfloat16), W1_ref[...].astype(jnp.bfloat16),
                preferred_element_type=jnp.float32)
    h = u * (jnp.tanh(u) + 1.0)
    v = jnp.dot(h.astype(jnp.bfloat16), W2_ref[...].astype(jnp.bfloat16),
                preferred_element_type=jnp.float32)
    g = v * (jnp.tanh(v) + 1.0)
    pooled = jnp.dot(S_ref[...], g, preferred_element_type=jnp.float32)
    o_ref[...] = jnp.dot(pooled, Wc_ref[...],
                         preferred_element_type=jnp.float32)


def _dense_call(B, L, D, H, C, BB, interpret=False):
    T = BB * L
    grid = (B // BB,)
    return pl.pallas_call(
        functools.partial(_dense_body, L, BB),
        grid=grid,
        in_specs=[
            pl.BlockSpec((T, D), lambda i: (i, 0)),
            pl.BlockSpec((BB, T), lambda i: (0, 0)),
            pl.BlockSpec((D, H), lambda i: (0, 0)),
            pl.BlockSpec((H, H), lambda i: (0, 0)),
            pl.BlockSpec((H, C), lambda i: (0, 0)),
        ],
        out_specs=pl.BlockSpec((BB, C), lambda i: (i, 0)),
        out_shape=jax.ShapeDtypeStruct((B, C), jnp.float32),
        compiler_params=pltpu.CompilerParams(
            dimension_semantics=("arbitrary",),
        ),
        interpret=interpret,
    )


def kernel(indices, mask, emb, W1, b1, W2, b2, Wc, bc):
    B, L = indices.shape
    V, D = emb.shape
    H = W1.shape[1]
    C = Wc.shape[1]
    BB = 16
    NCHUNK = 4

    Bc = B // NCHUNK
    Nc = Bc * L
    ch = _pick_chunk_rows(Nc // _NW)
    gather = _make_gather(V, D, Nc, ch)
    dense = _dense_call(Bc, L, D, H, C, BB)

    idx4 = indices.astype(jnp.int32).reshape(NCHUNK, _NW, Nc // (_NW * ch), ch)
    T = BB * L
    Sn = jnp.where(
        lax.broadcasted_iota(jnp.int32, (BB, T), 1) // L
        == lax.broadcasted_iota(jnp.int32, (BB, T), 0),
        jnp.float32(1.0 / L), jnp.float32(0.0))
    W1h = 0.5 * W1
    W2h = 0.5 * W2

    outs = []
    for c in range(NCHUNK):
        x_c = gather(idx4[c], emb)
        outs.append(dense(x_c, Sn, W1h, W2h, Wc))
    return jnp.concatenate(outs, axis=0)

# --- scband reference (transcript-rebuilt; emitter-appended) ---
"""Pipeline reference for scband-text-classifier-31001073943256 (READ-ONLY COPY).

The authoritative reference and input builder live on the scoring server;
editing this copy changes nothing except your own understanding.
"""

import jax, jax.numpy as jnp
import numpy as np

VOCAB = 100000
D = 128
H = 512
C = 4
B = 1024
L = 200


def setup_inputs(seed: int = 0) -> dict:
    key = jax.random.key(seed)
    ks = jax.random.split(key, 8)
    indices = jax.random.randint(ks[0], (B, L), 0, VOCAB)
    mask = jnp.ones((B, L), dtype=bool)
    emb = jax.random.normal(ks[1], (VOCAB, D), dtype=jnp.float32) * 0.02
    emb = emb.at[0].set(0.0)  # padding_idx=0 row is zero
    W1 = jax.random.normal(ks[2], (D, H), dtype=jnp.float32) * (1.0 / np.sqrt(D))
    b1 = jnp.zeros((H,), dtype=jnp.float32)
    W2 = jax.random.normal(ks[3], (H, H), dtype=jnp.float32) * (1.0 / np.sqrt(H))
    b2 = jnp.zeros((H,), dtype=jnp.float32)
    Wc = jax.random.normal(ks[4], (H, C), dtype=jnp.float32) * (1.0 / np.sqrt(H))
    bc = jnp.zeros((C,), dtype=jnp.float32)
    return {"indices": indices, "mask": mask, "emb": emb, "W1": W1, "b1": b1, "W2": W2, "b2": b2, "Wc": Wc, "bc": bc}


def reference(indices, mask, emb, W1, b1, W2, b2, Wc, bc):
    # Embedding lookup (SparseCore gather)
    x = jnp.take(emb, indices, axis=0)  # [B, L, D]
    # CVKAN body: per-token nonlinear feature layers (KAN-style SiLU basis)
    h = jax.nn.silu(x @ W1 + b1)  # [B, L, H]
    h = jax.nn.silu(h @ W2 + b2)  # [B, L, H]
    # Mask-aware mean pooling over sequence
    m = mask.astype(jnp.float32)[..., None]  # [B, L, 1]
    denom = jnp.clip(jnp.sum(m, axis=1), 1.0, None)  # [B, 1]
    pooled = jnp.sum(h * m, axis=1) / denom  # [B, H]
    logits = pooled @ Wc + bc  # [B, C]
    return logits

if __name__ == "__main__":
    import jax
    _d = setup_inputs()
    print(jax.jit(kernel)(*tuple(_d.values())))

</pallas_src>

<mosaic_0001>
#map = affine_map<(d0, d1) -> (0, 0, 0)>
#map1 = affine_map<(d0, d1) -> (0, 0)>
module attributes {stable_mosaic.version = 14 : i64} {
  func.func @gather_k(%arg0: i32, %arg1: i32, %arg2: memref<32x20x80xi32, #tpu.memory_space<hbm>>, %arg3: memref<100000x128xf32, #tpu.memory_space<hbm>>, %arg4: memref<51200x128xf32, #tpu.memory_space<hbm>>, %arg5: memref<20x80xi32, #tpu.memory_space<vmem>>, %arg6: memref<2x80x128xf32, #tpu.memory_space<vmem>>, %arg7: memref<!tpu.dma_semaphore, #tpu.memory_space<semaphore_mem>>, %arg8: memref<!tpu.dma_semaphore, #tpu.memory_space<semaphore_mem>>) attributes {dimension_semantics = [#tpu.dimension_semantics<core_parallel>, #tpu.dimension_semantics<subcore_parallel>], iteration_bounds = array<i64: 2, 16>, scalar_prefetch = 0 : i64, scratch_operands = 4 : i64, tpu.core_type = #tpu.core_type<sc_vector_subcore>, window_params = [{transform_indices = #map}, {transform_indices = #map1}, {transform_indices = #map1}]} {
    %mul3A = arith.constant 2 : i32
    %mul3A_0 = arith.muli %arg1, %mul3A : i32
    %add3A = arith.addi %mul3A_0, %arg0 : i32
    "tpu.region"() ({
      %run_scoped3A = tpu.sem_alloc : memref<!tpu.dma_semaphore, #tpu.memory_space<semaphore_mem>>
      %dma_start3A_19 = arith.constant 0 : i32
      %dma_start3A_20 = arith.constant 0 : i32
      %dma_start3A_21 = tpu.memref_slice %arg2[%add3A, %dma_start3A_19, %dma_start3A_20] : memref<32x20x80xi32, #tpu.memory_space<hbm>> -> memref<1x20x80xi32, #tpu.memory_space<hbm>>
      %dma_start3A_22 = tpu.memref_squeeze %dma_start3A_21 : memref<1x20x80xi32, #tpu.memory_space<hbm>> -> memref<20x80xi32, #tpu.memory_space<hbm>>
      %dma_start3A_23 = arith.constant 0 : i32
      %dma_start3A_24 = arith.constant 0 : i32
      %dma_start3A_25 = tpu.memref_slice %arg2[%add3A, %dma_start3A_23, %dma_start3A_24] : memref<32x20x80xi32, #tpu.memory_space<hbm>> -> memref<1x20x80xi32, #tpu.memory_space<hbm>>
      %dma_start3A_26 = tpu.memref_squeeze %dma_start3A_25 : memref<1x20x80xi32, #tpu.memory_space<hbm>> -> memref<20x80xi32, #tpu.memory_space<hbm>>
      tpu.enqueue_dma source(%dma_start3A_26 : memref<20x80xi32, #tpu.memory_space<hbm>>) target(%arg5 : memref<20x80xi32, #tpu.memory_space<vmem>>) target_semaphore(%run_scoped3A : memref<!tpu.dma_semaphore, #tpu.memory_space<semaphore_mem>>)
      %dma_wait3A = arith.constant 0 : i32
      %dma_wait3A_27 = arith.constant 0 : i32
      %dma_wait3A_28 = tpu.memref_slice %arg2[%add3A, %dma_wait3A, %dma_wait3A_27] : memref<32x20x80xi32, #tpu.memory_space<hbm>> -> memref<1x20x80xi32, #tpu.memory_space<hbm>>
      %dma_wait3A_29 = tpu.memref_squeeze %dma_wait3A_28 : memref<1x20x80xi32, #tpu.memory_space<hbm>> -> memref<20x80xi32, #tpu.memory_space<hbm>>
      %dma_wait3A_30 = arith.constant 0 : i32
      %dma_wait3A_31 = arith.constant 0 : i32
      %dma_wait3A_32 = tpu.memref_slice %arg2[%add3A, %dma_wait3A_30, %dma_wait3A_31] : memref<32x20x80xi32, #tpu.memory_space<hbm>> -> memref<1x20x80xi32, #tpu.memory_space<hbm>>
      %dma_wait3A_33 = tpu.memref_squeeze %dma_wait3A_32 : memref<1x20x80xi32, #tpu.memory_space<hbm>> -> memref<20x80xi32, #tpu.memory_space<hbm>>
      tpu.wait_dma2 semaphore(%run_scoped3A : memref<!tpu.dma_semaphore, #tpu.memory_space<semaphore_mem>>) src(%dma_wait3A_33 : memref<20x80xi32, #tpu.memory_space<hbm>>) dst(%arg5 : memref<20x80xi32, #tpu.memory_space<vmem>>)
      tpu.yield
    }) : () -> ()
    %mul3A_1 = arith.constant 1600 : i32
    %mul3A_2 = arith.muli %add3A, %mul3A_1 : i32
    %dma_start3A = arith.constant 0 : i32
    %dma_start3A_3 = arith.constant 0 : i32
    %dma_start3A_4 = arith.constant 0 : i32
    %dma_start3A_5 = arith.constant 0 : i32
    %dma_start3A_6 = tpu.memref_slice %arg6[%dma_start3A_3, %dma_start3A_4, %dma_start3A_5] : memref<2x80x128xf32, #tpu.memory_space<vmem>> -> memref<1x80x128xf32, #tpu.memory_space<vmem>>
    %dma_start3A_7 = tpu.memref_squeeze %dma_start3A_6 : memref<1x80x128xf32, #tpu.memory_space<vmem>> -> memref<80x128xf32, #tpu.memory_space<vmem>>
    %dma_start3A_8 = arith.constant 0 : i32
    %dma_start3A_9 = tpu.memref_slice %arg5[%dma_start3A, %dma_start3A_8] : memref<20x80xi32, #tpu.memory_space<vmem>> -> memref<1x80xi32, #tpu.memory_space<vmem>>
    %dma_start3A_10 = tpu.memref_squeeze %dma_start3A_9 : memref<1x80xi32, #tpu.memory_space<vmem>> -> memref<80xi32, #tpu.memory_space<vmem>>
    %dma_start3A_11 = arith.constant 0 : i32
    %dma_start3A_12 = arith.constant 0 : i32
    %dma_start3A_13 = tpu.memref_slice %arg3[%dma_start3A_11, %dma_start3A_12] : memref<100000x128xf32, #tpu.memory_space<hbm>> -> memref<100000x128xf32, #tpu.memory_space<hbm>>
    tpu.enqueue_indirect_dma source(%dma_start3A_13 : memref<100000x128xf32, #tpu.memory_space<hbm>>) target(%dma_start3A_7 : memref<80x128xf32, #tpu.memory_space<vmem>>) offsets(%dma_start3A_10 : memref<80xi32, #tpu.memory_space<vmem>>) semaphore(%arg7 : memref<!tpu.dma_semaphore, #tpu.memory_space<semaphore_mem>>)
    %scan3A = arith.constant 0 : i32
    %scan3A_14 = arith.constant 0 : i32
    %scan3A_15 = arith.constant 10 : i32
    %scan3A_16 = arith.addi %scan3A_14, %scan3A_15 : i32
    %scan3A_17 = arith.constant 1 : i32
    scf.for %scan3A_19 = %scan3A_14 to %scan3A_16 step %scan3A_17  : i32 {
      %mul3A_20 = arith.constant 2 : i32
      %mul3A_21 = arith.muli %mul3A_20, %scan3A_19 : i32
      %add3A_22 = arith.constant 1 : i32
      %add3A_23 = arith.addi %mul3A_21, %add3A_22 : i32
      %dma_start3A_24 = arith.constant 1 : i32
      %dma_start3A_25 = arith.constant 0 : i32
      %dma_start3A_26 = arith.constant 0 : i32
      %dma_start3A_27 = tpu.memref_slice %arg6[%dma_start3A_24, %dma_start3A_25, %dma_start3A_26] : memref<2x80x128xf32, #tpu.memory_space<vmem>> -> memref<1x80x128xf32, #tpu.memory_space<vmem>>
      %dma_start3A_28 = tpu.memref_squeeze %dma_start3A_27 : memref<1x80x128xf32, #tpu.memory_space<vmem>> -> memref<80x128xf32, #tpu.memory_space<vmem>>
      %dma_start3A_29 = arith.constant 0 : i32
      %dma_start3A_30 = tpu.memref_slice %arg5[%add3A_23, %dma_start3A_29] : memref<20x80xi32, #tpu.memory_space<vmem>> -> memref<1x80xi32, #tpu.memory_space<vmem>>
      %dma_start3A_31 = tpu.memref_squeeze %dma_start3A_30 : memref<1x80xi32, #tpu.memory_space<vmem>> -> memref<80xi32, #tpu.memory_space<vmem>>
      %dma_start3A_32 = arith.constant 0 : i32
      %dma_start3A_33 = arith.constant 0 : i32
      %dma_start3A_34 = tpu.memref_slice %arg3[%dma_start3A_32, %dma_start3A_33] : memref<100000x128xf32, #tpu.memory_space<hbm>> -> memref<100000x128xf32, #tpu.memory_space<hbm>>
      tpu.enqueue_indirect_dma source(%dma_start3A_34 : memref<100000x128xf32, #tpu.memory_space<hbm>>) target(%dma_start3A_28 : memref<80x128xf32, #tpu.memory_space<vmem>>) offsets(%dma_start3A_31 : memref<80xi32, #tpu.memory_space<vmem>>) semaphore(%arg8 : memref<!tpu.dma_semaphore, #tpu.memory_space<semaphore_mem>>)
      %mul3A_35 = arith.constant 2 : i32
      %mul3A_36 = arith.muli %mul3A_35, %scan3A_19 : i32
      %dma_wait3A = arith.constant 0 : i32
      %dma_wait3A_37 = arith.constant 0 : i32
      %dma_wait3A_38 = arith.constant 0 : i32
      %dma_wait3A_39 = tpu.memref_slice %arg6[%dma_wait3A, %dma_wait3A_37, %dma_wait3A_38] : memref<2x80x128xf32, #tpu.memory_space<vmem>> -> memref<1x80x128xf32, #tpu.memory_space<vmem>>
      %dma_wait3A_40 = tpu.memref_squeeze %dma_wait3A_39 : memref<1x80x128xf32, #tpu.memory_space<vmem>> -> memref<80x128xf32, #tpu.memory_space<vmem>>
      %dma_wait3A_41 = arith.constant 0 : i32
      %dma_wait3A_42 = tpu.memref_slice %arg5[%mul3A_36, %dma_wait3A_41] : memref<20x80xi32, #tpu.memory_space<vmem>> -> memref<1x80xi32, #tpu.memory_space<vmem>>
      %dma_wait3A_43 = tpu.memref_squeeze %dma_wait3A_42 : memref<1x80xi32, #tpu.memory_space<vmem>> -> memref<80xi32, #tpu.memory_space<vmem>>
      %dma_wait3A_44 = arith.constant 0 : i32
      %dma_wait3A_45 = arith.constant 0 : i32
      %dma_wait3A_46 = tpu.memref_slice %arg3[%dma_wait3A_44, %dma_wait3A_45] : memref<100000x128xf32, #tpu.memory_space<hbm>> -> memref<100000x128xf32, #tpu.memory_space<hbm>>
      tpu.wait_indirect_dma semaphore(%arg7 : memref<!tpu.dma_semaphore, #tpu.memory_space<semaphore_mem>>) src(%dma_wait3A_46 : memref<100000x128xf32, #tpu.memory_space<hbm>>) dst(%dma_wait3A_40 : memref<80x128xf32, #tpu.memory_space<vmem>>)
      %mul3A_47 = arith.constant 80 : i32
      %mul3A_48 = arith.muli %mul3A_36, %mul3A_47 : i32
      %add3A_49 = arith.addi %mul3A_2, %mul3A_48 : i32
      %run_scoped3A = arith.constant 0 : i32
      "tpu.region"() ({
        %run_scoped3A_71 = tpu.sem_alloc : memref<!tpu.dma_semaphore, #tpu.memory_space<semaphore_mem>>
        %dma_start3A_72 = arith.constant 0 : i32
        %dma_start3A_73 = arith.constant 0 : i32
        %dma_start3A_74 = tpu.memref_slice %arg6[%run_scoped3A, %dma_start3A_72, %dma_start3A_73] : memref<2x80x128xf32, #tpu.memory_space<vmem>> -> memref<1x80x128xf32, #tpu.memory_space<vmem>>
        %dma_start3A_75 = tpu.memref_squeeze %dma_start3A_74 : memref<1x80x128xf32, #tpu.memory_space<vmem>> -> memref<80x128xf32, #tpu.memory_space<vmem>>
        %dma_start3A_76 = arith.constant 0 : i32
        %dma_start3A_77 = tpu.memref_slice %arg4[%add3A_49, %dma_start3A_76] : memref<51200x128xf32, #tpu.memory_space<hbm>> -> memref<80x128xf32, #tpu.memory_space<hbm>>
        %dma_start3A_78 = arith.constant 0 : i32
        %dma_start3A_79 = tpu.memref_slice %arg4[%add3A_49, %dma_start3A_78] : memref<51200x128xf32, #tpu.memory_space<hbm>> -> memref<80x128xf32, #tpu.memory_space<hbm>>
        %dma_start3A_80 = arith.constant 0 : i32
        %dma_start3A_81 = arith.constant 0 : i32
        %dma_start3A_82 = tpu.memref_slice %arg6[%run_scoped3A, %dma_start3A_80, %dma_start3A_81] : memref<2x80x128xf32, #tpu.memory_space<vmem>> -> memref<1x80x128xf32, #tpu.memory_space<vmem>>
        %dma_start3A_83 = tpu.memref_squeeze %dma_start3A_82 : memref<1x80x128xf32, #tpu.memory_space<vmem>> -> memref<80x128xf32, #tpu.memory_space<vmem>>
        tpu.enqueue_dma source(%dma_start3A_83 : memref<80x128xf32, #tpu.memory_space<vmem>>) target(%dma_start3A_79 : memref<80x128xf32, #tpu.memory_space<hbm>>) target_semaphore(%run_scoped3A_71 : memref<!tpu.dma_semaphore, #tpu.memory_space<semaphore_mem>>)
        %dma_wait3A_84 = arith.constant 0 : i32
        %dma_wait3A_85 = arith.constant 0 : i32
        %dma_wait3A_86 = tpu.memref_slice %arg6[%run_scoped3A, %dma_wait3A_84, %dma_wait3A_85] : memref<2x80x128xf32, #tpu.memory_space<vmem>> -> memref<1x80x128xf32, #tpu.memory_space<vmem>>
        %dma_wait3A_87 = tpu.memref_squeeze %dma_wait3A_86 : memref<1x80x128xf32, #tpu.memory_space<vmem>> -> memref<80x128xf32, #tpu.memory_space<vmem>>
        %dma_wait3A_88 = arith.constant 0 : i32
        %dma_wait3A_89 = tpu.memref_slice %arg4[%add3A_49, %dma_wait3A_88] : memref<51200x128xf32, #tpu.memory_space<hbm>> -> memref<80x128xf32, #tpu.memory_space<hbm>>
        %dma_wait3A_90 = arith.constant 0 : i32
        %dma_wait3A_91 = tpu.memref_slice %arg4[%add3A_49, %dma_wait3A_90] : memref<51200x128xf32, #tpu.memory_space<hbm>> -> memref<80x128xf32, #tpu.memory_space<hbm>>
        %dma_wait3A_92 = arith.constant 0 : i32
        %dma_wait3A_93 = arith.constant 0 : i32
        %dma_wait3A_94 = tpu.memref_slice %arg6[%run_scoped3A, %dma_wait3A_92, %dma_wait3A_93] : memref<2x80x128xf32, #tpu.memory_space<vmem>> -> memref<1x80x128xf32, #tpu.memory_space<vmem>>
        %dma_wait3A_95 = tpu.memref_squeeze %dma_wait3A_94 : memref<1x80x128xf32, #tpu.memory_space<vmem>> -> memref<80x128xf32, #tpu.memory_space<vmem>>
        tpu.wait_dma2 semaphore(%run_scoped3A_71 : memref<!tpu.dma_semaphore, #tpu.memory_space<semaphore_mem>>) src(%dma_wait3A_95 : memref<80x128xf32, #tpu.memory_space<vmem>>) dst(%dma_wait3A_91 : memref<80x128xf32, #tpu.memory_space<hbm>>)
        tpu.yield
      }) : () -> ()
      %lt3A = arith.constant 9 : i32
      %lt3A_50 = arith.cmpi slt, %scan3A_19, %lt3A : i32
      %convert_element_type3A = arith.extui %lt3A_50 : i1 to i32
      %cond3A = arith.constant 0 : i32
      %cond3A_51 = arith.cmpi ne, %convert_element_type3A, %cond3A : i32
      scf.if %cond3A_51 {
        %mul3A_71 = arith.constant 2 : i32
        %mul3A_72 = arith.muli %mul3A_71, %scan3A_19 : i32
        %add3A_73 = arith.constant 2 : i32
        %add3A_74 = arith.addi %mul3A_72, %add3A_73 : i32
        %dma_start3A_75 = arith.constant 0 : i32
        %dma_start3A_76 = arith.constant 0 : i32
        %dma_start3A_77 = arith.constant 0 : i32
        %dma_start3A_78 = tpu.memref_slice %arg6[%dma_start3A_75, %dma_start3A_76, %dma_start3A_77] : memref<2x80x128xf32, #tpu.memory_space<vmem>> -> memref<1x80x128xf32, #tpu.memory_space<vmem>>
        %dma_start3A_79 = tpu.memref_squeeze %dma_start3A_78 : memref<1x80x128xf32, #tpu.memory_space<vmem>> -> memref<80x128xf32, #tpu.memory_space<vmem>>
        %dma_start3A_80 = arith.constant 0 : i32
        %dma_start3A_81 = tpu.memref_slice %arg5[%add3A_74, %dma_start3A_80] : memref<20x80xi32, #tpu.memory_space<vmem>> -> memref<1x80xi32, #tpu.memory_space<vmem>>
        %dma_start3A_82 = tpu.memref_squeeze %dma_start3A_81 : memref<1x80xi32, #tpu.memory_space<vmem>> -> memref<80xi32, #tpu.memory_space<vmem>>
        %dma_start3A_83 = arith.constant 0 : i32
        %dma_start3A_84 = arith.constant 0 : i32
        %dma_start3A_85 = tpu.memref_slice %arg3[%dma_start3A_83, %dma_start3A_84] : memref<100000x128xf32, #tpu.memory_space<hbm>> -> memref<100000x128xf32, #tpu.memory_space<hbm>>
        tpu.enqueue_indirect_dma source(%dma_start3A_85 : memref<100000x128xf32, #tpu.memory_space<hbm>>) target(%dma_start3A_79 : memref<80x128xf32, #tpu.memory_space<vmem>>) offsets(%dma_start3A_82 : memref<80xi32, #tpu.memory_space<vmem>>) semaphore(%arg7 : memref<!tpu.dma_semaphore, #tpu.memory_space<semaphore_mem>>)
      } else {
      }
      %mul3A_52 = arith.constant 2 : i32
      %mul3A_53 = arith.muli %mul3A_52, %scan3A_19 : i32
      %add3A_54 = arith.constant 1 : i32
      %add3A_55 = arith.addi %mul3A_53, %add3A_54 : i32
      %dma_wait3A_56 = arith.constant 1 : i32
      %dma_wait3A_57 = arith.constant 0 : i32
      %dma_wait3A_58 = arith.constant 0 : i32
      %dma_wait3A_59 = tpu.memref_slice %arg6[%dma_wait3A_56, %dma_wait3A_57, %dma_wait3A_58] : memref<2x80x128xf32, #tpu.memory_space<vmem>> -> memref<1x80x128xf32, #tpu.memory_space<vmem>>
      %dma_wait3A_60 = tpu.memref_squeeze %dma_wait3A_59 : memref<1x80x128xf32, #tpu.memory_space<vmem>> -> memref<80x128xf32, #tpu.memory_space<vmem>>
      %dma_wait3A_61 = arith.constant 0 : i32
      %dma_wait3A_62 = tpu.memref_slice %arg5[%add3A_55, %dma_wait3A_61] : memref<20x80xi32, #tpu.memory_space<vmem>> -> memref<1x80xi32, #tpu.memory_space<vmem>>
      %dma_wait3A_63 = tpu.memref_squeeze %dma_wait3A_62 : memref<1x80xi32, #tpu.memory_space<vmem>> -> memref<80xi32, #tpu.memory_space<vmem>>
      %dma_wait3A_64 = arith.constant 0 : i32
      %dma_wait3A_65 = arith.constant 0 : i32
      %dma_wait3A_66 = tpu.memref_slice %arg3[%dma_wait3A_64, %dma_wait3A_65] : memref<100000x128xf32, #tpu.memory_space<hbm>> -> memref<100000x128xf32, #tpu.memory_space<hbm>>
      tpu.wait_indirect_dma semaphore(%arg8 : memref<!tpu.dma_semaphore, #tpu.memory_space<semaphore_mem>>) src(%dma_wait3A_66 : memref<100000x128xf32, #tpu.memory_space<hbm>>) dst(%dma_wait3A_60 : memref<80x128xf32, #tpu.memory_space<vmem>>)
      %mul3A_67 = arith.constant 80 : i32
      %mul3A_68 = arith.muli %add3A_55, %mul3A_67 : i32
      %add3A_69 = arith.addi %mul3A_2, %mul3A_68 : i32
      %run_scoped3A_70 = arith.constant 1 : i32
      "tpu.region"() ({
        %run_scoped3A_71 = tpu.sem_alloc : memref<!tpu.dma_semaphore, #tpu.memory_space<semaphore_mem>>
        %dma_start3A_72 = arith.constant 0 : i32
        %dma_start3A_73 = arith.constant 0 : i32
        %dma_start3A_74 = tpu.memref_slice %arg6[%run_scoped3A_70, %dma_start3A_72, %dma_start3A_73] : memref<2x80x128xf32, #tpu.memory_space<vmem>> -> memref<1x80x128xf32, #tpu.memory_space<vmem>>
        %dma_start3A_75 = tpu.memref_squeeze %dma_start3A_74 : memref<1x80x128xf32, #tpu.memory_space<vmem>> -> memref<80x128xf32, #tpu.memory_space<vmem>>
        %dma_start3A_76 = arith.constant 0 : i32
        %dma_start3A_77 = tpu.memref_slice %arg4[%add3A_69, %dma_start3A_76] : memref<51200x128xf32, #tpu.memory_space<hbm>> -> memref<80x128xf32, #tpu.memory_space<hbm>>
        %dma_start3A_78 = arith.constant 0 : i32
        %dma_start3A_79 = tpu.memref_slice %arg4[%add3A_69, %dma_start3A_78] : memref<51200x128xf32, #tpu.memory_space<hbm>> -> memref<80x128xf32, #tpu.memory_space<hbm>>
        %dma_start3A_80 = arith.constant 0 : i32
        %dma_start3A_81 = arith.constant 0 : i32
        %dma_start3A_82 = tpu.memref_slice %arg6[%run_scoped3A_70, %dma_start3A_80, %dma_start3A_81] : memref<2x80x128xf32, #tpu.memory_space<vmem>> -> memref<1x80x128xf32, #tpu.memory_space<vmem>>
        %dma_start3A_83 = tpu.memref_squeeze %dma_start3A_82 : memref<1x80x128xf32, #tpu.memory_space<vmem>> -> memref<80x128xf32, #tpu.memory_space<vmem>>
        tpu.enqueue_dma source(%dma_start3A_83 : memref<80x128xf32, #tpu.memory_space<vmem>>) target(%dma_start3A_79 : memref<80x128xf32, #tpu.memory_space<hbm>>) target_semaphore(%run_scoped3A_71 : memref<!tpu.dma_semaphore, #tpu.memory_space<semaphore_mem>>)
        %dma_wait3A_84 = arith.constant 0 : i32
        %dma_wait3A_85 = arith.constant 0 : i32
        %dma_wait3A_86 = tpu.memref_slice %arg6[%run_scoped3A_70, %dma_wait3A_84, %dma_wait3A_85] : memref<2x80x128xf32, #tpu.memory_space<vmem>> -> memref<1x80x128xf32, #tpu.memory_space<vmem>>
        %dma_wait3A_87 = tpu.memref_squeeze %dma_wait3A_86 : memref<1x80x128xf32, #tpu.memory_space<vmem>> -> memref<80x128xf32, #tpu.memory_space<vmem>>
        %dma_wait3A_88 = arith.constant 0 : i32
        %dma_wait3A_89 = tpu.memref_slice %arg4[%add3A_69, %dma_wait3A_88] : memref<51200x128xf32, #tpu.memory_space<hbm>> -> memref<80x128xf32, #tpu.memory_space<hbm>>
        %dma_wait3A_90 = arith.constant 0 : i32
        %dma_wait3A_91 = tpu.memref_slice %arg4[%add3A_69, %dma_wait3A_90] : memref<51200x128xf32, #tpu.memory_space<hbm>> -> memref<80x128xf32, #tpu.memory_space<hbm>>
        %dma_wait3A_92 = arith.constant 0 : i32
        %dma_wait3A_93 = arith.constant 0 : i32
        %dma_wait3A_94 = tpu.memref_slice %arg6[%run_scoped3A_70, %dma_wait3A_92, %dma_wait3A_93] : memref<2x80x128xf32, #tpu.memory_space<vmem>> -> memref<1x80x128xf32, #tpu.memory_space<vmem>>
        %dma_wait3A_95 = tpu.memref_squeeze %dma_wait3A_94 : memref<1x80x128xf32, #tpu.memory_space<vmem>> -> memref<80x128xf32, #tpu.memory_space<vmem>>
        tpu.wait_dma2 semaphore(%run_scoped3A_71 : memref<!tpu.dma_semaphore, #tpu.memory_space<semaphore_mem>>) src(%dma_wait3A_95 : memref<80x128xf32, #tpu.memory_space<vmem>>) dst(%dma_wait3A_91 : memref<80x128xf32, #tpu.memory_space<hbm>>)
        tpu.yield
      }) : () -> ()
    }
    %scan3A_18 = arith.constant 10 : i32
    return
  }
}

#map = affine_map<(d0, d1) -> (0, 0, 0)>
#map1 = affine_map<(d0, d1) -> (0, 0)>
module attributes {stable_mosaic.version = 14 : i64} {
  func.func @gather_k(%arg0: i32, %arg1: i32, %arg2: memref<32x20x80xi32, #tpu.memory_space<hbm>>, %arg3: memref<100000x128xf32, #tpu.memory_space<hbm>>, %arg4: memref<51200x128xf32, #tpu.memory_space<hbm>>, %arg5: memref<20x80xi32, #tpu.memory_space<vmem>>, %arg6: memref<2x80x128xf32, #tpu.memory_space<vmem>>, %arg7: memref<!tpu.dma_semaphore, #tpu.memory_space<semaphore_mem>>, %arg8: memref<!tpu.dma_semaphore, #tpu.memory_space<semaphore_mem>>) attributes {dimension_semantics = [#tpu.dimension_semantics<core_parallel>, #tpu.dimension_semantics<subcore_parallel>], iteration_bounds = array<i64: 2, 16>, scalar_prefetch = 0 : i64, scratch_operands = 4 : i64, tpu.core_type = #tpu.core_type<sc_vector_subcore>, window_params = [{transform_indices = #map}, {transform_indices = #map1}, {transform_indices = #map1}]} {
    %mul3A = arith.constant 2 : i32
    %mul3A_0 = arith.muli %arg1, %mul3A : i32
    %add3A = arith.addi %mul3A_0, %arg0 : i32
    "tpu.region"() ({
      %run_scoped3A = tpu.sem_alloc : memref<!tpu.dma_semaphore, #tpu.memory_space<semaphore_mem>>
      %dma_start3A_19 = arith.constant 0 : i32
      %dma_start3A_20 = arith.constant 0 : i32
      %dma_start3A_21 = tpu.memref_slice %arg2[%add3A, %dma_start3A_19, %dma_start3A_20] : memref<32x20x80xi32, #tpu.memory_space<hbm>> -> memref<1x20x80xi32, #tpu.memory_space<hbm>>
      %dma_start3A_22 = tpu.memref_squeeze %dma_start3A_21 : memref<1x20x80xi32, #tpu.memory_space<hbm>> -> memref<20x80xi32, #tpu.memory_space<hbm>>
      %dma_start3A_23 = arith.constant 0 : i32
      %dma_start3A_24 = arith.constant 0 : i32
      %dma_start3A_25 = tpu.memref_slice %arg2[%add3A, %dma_start3A_23, %dma_start3A_24] : memref<32x20x80xi32, #tpu.memory_space<hbm>> -> memref<1x20x80xi32, #tpu.memory_space<hbm>>
      %dma_start3A_26 = tpu.memref_squeeze %dma_start3A_25 : memref<1x20x80xi32, #tpu.memory_space<hbm>> -> memref<20x80xi32, #tpu.memory_space<hbm>>
      tpu.enqueue_dma source(%dma_start3A_26 : memref<20x80xi32, #tpu.memory_space<hbm>>) target(%arg5 : memref<20x80xi32, #tpu.memory_space<vmem>>) target_semaphore(%run_scoped3A : memref<!tpu.dma_semaphore, #tpu.memory_space<semaphore_mem>>)
      %dma_wait3A = arith.constant 0 : i32
      %dma_wait3A_27 = arith.constant 0 : i32
      %dma_wait3A_28 = tpu.memref_slice %arg2[%add3A, %dma_wait3A, %dma_wait3A_27] : memref<32x20x80xi32, #tpu.memory_space<hbm>> -> memref<1x20x80xi32, #tpu.memory_space<hbm>>
      %dma_wait3A_29 = tpu.memref_squeeze %dma_wait3A_28 : memref<1x20x80xi32, #tpu.memory_space<hbm>> -> memref<20x80xi32, #tpu.memory_space<hbm>>
      %dma_wait3A_30 = arith.constant 0 : i32
      %dma_wait3A_31 = arith.constant 0 : i32
      %dma_wait3A_32 = tpu.memref_slice %arg2[%add3A, %dma_wait3A_30, %dma_wait3A_31] : memref<32x20x80xi32, #tpu.memory_space<hbm>> -> memref<1x20x80xi32, #tpu.memory_space<hbm>>
      %dma_wait3A_33 = tpu.memref_squeeze %dma_wait3A_32 : memref<1x20x80xi32, #tpu.memory_space<hbm>> -> memref<20x80xi32, #tpu.memory_space<hbm>>
      tpu.wait_dma2 semaphore(%run_scoped3A : memref<!tpu.dma_semaphore, #tpu.memory_space<semaphore_mem>>) src(%dma_wait3A_33 : memref<20x80xi32, #tpu.memory_space<hbm>>) dst(%arg5 : memref<20x80xi32, #tpu.memory_space<vmem>>)
      tpu.yield
    }) : () -> ()
    %mul3A_1 = arith.constant 1600 : i32
    %mul3A_2 = arith.muli %add3A, %mul3A_1 : i32
    %dma_start3A = arith.constant 0 : i32
    %dma_start3A_3 = arith.constant 0 : i32
    %dma_start3A_4 = arith.constant 0 : i32
    %dma_start3A_5 = arith.constant 0 : i32
    %dma_start3A_6 = tpu.memref_slice %arg6[%dma_start3A_3, %dma_start3A_4, %dma_start3A_5] : memref<2x80x128xf32, #tpu.memory_space<vmem>> -> memref<1x80x128xf32, #tpu.memory_space<vmem>>
    %dma_start3A_7 = tpu.memref_squeeze %dma_start3A_6 : memref<1x80x128xf32, #tpu.memory_space<vmem>> -> memref<80x128xf32, #tpu.memory_space<vmem>>
    %dma_start3A_8 = arith.constant 0 : i32
    %dma_start3A_9 = tpu.memref_slice %arg5[%dma_start3A, %dma_start3A_8] : memref<20x80xi32, #tpu.memory_space<vmem>> -> memref<1x80xi32, #tpu.memory_space<vmem>>
    %dma_start3A_10 = tpu.memref_squeeze %dma_start3A_9 : memref<1x80xi32, #tpu.memory_space<vmem>> -> memref<80xi32, #tpu.memory_space<vmem>>
    %dma_start3A_11 = arith.constant 0 : i32
    %dma_start3A_12 = arith.constant 0 : i32
    %dma_start3A_13 = tpu.memref_slice %arg3[%dma_start3A_11, %dma_start3A_12] : memref<100000x128xf32, #tpu.memory_space<hbm>> -> memref<100000x128xf32, #tpu.memory_space<hbm>>
    tpu.enqueue_indirect_dma source(%dma_start3A_13 : memref<100000x128xf32, #tpu.memory_space<hbm>>) target(%dma_start3A_7 : memref<80x128xf32, #tpu.memory_space<vmem>>) offsets(%dma_start3A_10 : memref<80xi32, #tpu.memory_space<vmem>>) semaphore(%arg7 : memref<!tpu.dma_semaphore, #tpu.memory_space<semaphore_mem>>)
    %scan3A = arith.constant 0 : i32
    %scan3A_14 = arith.constant 0 : i32
    %scan3A_15 = arith.constant 10 : i32
    %scan3A_16 = arith.addi %scan3A_14, %scan3A_15 : i32
    %scan3A_17 = arith.constant 1 : i32
    scf.for %scan3A_19 = %scan3A_14 to %scan3A_16 step %scan3A_17  : i32 {
      %mul3A_20 = arith.constant 2 : i32
      %mul3A_21 = arith.muli %mul3A_20, %scan3A_19 : i32
      %add3A_22 = arith.constant 1 : i32
      %add3A_23 = arith.addi %mul3A_21, %add3A_22 : i32
      %dma_start3A_24 = arith.constant 1 : i32
      %dma_start3A_25 = arith.constant 0 : i32
      %dma_start3A_26 = arith.constant 0 : i32
      %dma_start3A_27 = tpu.memref_slice %arg6[%dma_start3A_24, %dma_start3A_25, %dma_start3A_26] : memref<2x80x128xf32, #tpu.memory_space<vmem>> -> memref<1x80x128xf32, #tpu.memory_space<vmem>>
      %dma_start3A_28 = tpu.memref_squeeze %dma_start3A_27 : memref<1x80x128xf32, #tpu.memory_space<vmem>> -> memref<80x128xf32, #tpu.memory_space<vmem>>
      %dma_start3A_29 = arith.constant 0 : i32
      %dma_start3A_30 = tpu.memref_slice %arg5[%add3A_23, %dma_start3A_29] : memref<20x80xi32, #tpu.memory_space<vmem>> -> memref<1x80xi32, #tpu.memory_space<vmem>>
      %dma_start3A_31 = tpu.memref_squeeze %dma_start3A_30 : memref<1x80xi32, #tpu.memory_space<vmem>> -> memref<80xi32, #tpu.memory_space<vmem>>
      %dma_start3A_32 = arith.constant 0 : i32
      %dma_start3A_33 = arith.constant 0 : i32
      %dma_start3A_34 = tpu.memref_slice %arg3[%dma_start3A_32, %dma_start3A_33] : memref<100000x128xf32, #tpu.memory_space<hbm>> -> memref<100000x128xf32, #tpu.memory_space<hbm>>
      tpu.enqueue_indirect_dma source(%dma_start3A_34 : memref<100000x128xf32, #tpu.memory_space<hbm>>) target(%dma_start3A_28 : memref<80x128xf32, #tpu.memory_space<vmem>>) offsets(%dma_start3A_31 : memref<80xi32, #tpu.memory_space<vmem>>) semaphore(%arg8 : memref<!tpu.dma_semaphore, #tpu.memory_space<semaphore_mem>>)
      %mul3A_35 = arith.constant 2 : i32
      %mul3A_36 = arith.muli %mul3A_35, %scan3A_19 : i32
      %dma_wait3A = arith.constant 0 : i32
      %dma_wait3A_37 = arith.constant 0 : i32
      %dma_wait3A_38 = arith.constant 0 : i32
      %dma_wait3A_39 = tpu.memref_slice %arg6[%dma_wait3A, %dma_wait3A_37, %dma_wait3A_38] : memref<2x80x128xf32, #tpu.memory_space<vmem>> -> memref<1x80x128xf32, #tpu.memory_space<vmem>>
      %dma_wait3A_40 = tpu.memref_squeeze %dma_wait3A_39 : memref<1x80x128xf32, #tpu.memory_space<vmem>> -> memref<80x128xf32, #tpu.memory_space<vmem>>
      %dma_wait3A_41 = arith.constant 0 : i32
      %dma_wait3A_42 = tpu.memref_slice %arg5[%mul3A_36, %dma_wait3A_41] : memref<20x80xi32, #tpu.memory_space<vmem>> -> memref<1x80xi32, #tpu.memory_space<vmem>>
      %dma_wait3A_43 = tpu.memref_squeeze %dma_wait3A_42 : memref<1x80xi32, #tpu.memory_space<vmem>> -> memref<80xi32, #tpu.memory_space<vmem>>
      %dma_wait3A_44 = arith.constant 0 : i32
      %dma_wait3A_45 = arith.constant 0 : i32
      %dma_wait3A_46 = tpu.memref_slice %arg3[%dma_wait3A_44, %dma_wait3A_45] : memref<100000x128xf32, #tpu.memory_space<hbm>> -> memref<100000x128xf32, #tpu.memory_space<hbm>>
      tpu.wait_indirect_dma semaphore(%arg7 : memref<!tpu.dma_semaphore, #tpu.memory_space<semaphore_mem>>) src(%dma_wait3A_46 : memref<100000x128xf32, #tpu.memory_space<hbm>>) dst(%dma_wait3A_40 : memref<80x128xf32, #tpu.memory_space<vmem>>)
      %mul3A_47 = arith.constant 80 : i32
      %mul3A_48 = arith.muli %mul3A_36, %mul3A_47 : i32
      %add3A_49 = arith.addi %mul3A_2, %mul3A_48 : i32
      %run_scoped3A = arith.constant 0 : i32
      "tpu.region"() ({
        %run_scoped3A_71 = tpu.sem_alloc : memref<!tpu.dma_semaphore, #tpu.memory_space<semaphore_mem>>
        %dma_start3A_72 = arith.constant 0 : i32
        %dma_start3A_73 = arith.constant 0 : i32
        %dma_start3A_74 = tpu.memref_slice %arg6[%run_scoped3A, %dma_start3A_72, %dma_start3A_73] : memref<2x80x128xf32, #tpu.memory_space<vmem>> -> memref<1x80x128xf32, #tpu.memory_space<vmem>>
        %dma_start3A_75 = tpu.memref_squeeze %dma_start3A_74 : memref<1x80x128xf32, #tpu.memory_space<vmem>> -> memref<80x128xf32, #tpu.memory_space<vmem>>
        %dma_start3A_76 = arith.constant 0 : i32
        %dma_start3A_77 = tpu.memref_slice %arg4[%add3A_49, %dma_start3A_76] : memref<51200x128xf32, #tpu.memory_space<hbm>> -> memref<80x128xf32, #tpu.memory_space<hbm>>
        %dma_start3A_78 = arith.constant 0 : i32
        %dma_start3A_79 = tpu.memref_slice %arg4[%add3A_49, %dma_start3A_78] : memref<51200x128xf32, #tpu.memory_space<hbm>> -> memref<80x128xf32, #tpu.memory_space<hbm>>
        %dma_start3A_80 = arith.constant 0 : i32
        %dma_start3A_81 = arith.constant 0 : i32
        %dma_start3A_82 = tpu.memref_slice %arg6[%run_scoped3A, %dma_start3A_80, %dma_start3A_81] : memref<2x80x128xf32, #tpu.memory_space<vmem>> -> memref<1x80x128xf32, #tpu.memory_space<vmem>>
        %dma_start3A_83 = tpu.memref_squeeze %dma_start3A_82 : memref<1x80x128xf32, #tpu.memory_space<vmem>> -> memref<80x128xf32, #tpu.memory_space<vmem>>
        tpu.enqueue_dma source(%dma_start3A_83 : memref<80x128xf32, #tpu.memory_space<vmem>>) target(%dma_start3A_79 : memref<80x128xf32, #tpu.memory_space<hbm>>) target_semaphore(%run_scoped3A_71 : memref<!tpu.dma_semaphore, #tpu.memory_space<semaphore_mem>>)
        %dma_wait3A_84 = arith.constant 0 : i32
        %dma_wait3A_85 = arith.constant 0 : i32
        %dma_wait3A_86 = tpu.memref_slice %arg6[%run_scoped3A, %dma_wait3A_84, %dma_wait3A_85] : memref<2x80x128xf32, #tpu.memory_space<vmem>> -> memref<1x80x128xf32, #tpu.memory_space<vmem>>
        %dma_wait3A_87 = tpu.memref_squeeze %dma_wait3A_86 : memref<1x80x128xf32, #tpu.memory_space<vmem>> -> memref<80x128xf32, #tpu.memory_space<vmem>>
        %dma_wait3A_88 = arith.constant 0 : i32
        %dma_wait3A_89 = tpu.memref_slice %arg4[%add3A_49, %dma_wait3A_88] : memref<51200x128xf32, #tpu.memory_space<hbm>> -> memref<80x128xf32, #tpu.memory_space<hbm>>
        %dma_wait3A_90 = arith.constant 0 : i32
        %dma_wait3A_91 = tpu.memref_slice %arg4[%add3A_49, %dma_wait3A_90] : memref<51200x128xf32, #tpu.memory_space<hbm>> -> memref<80x128xf32, #tpu.memory_space<hbm>>
        %dma_wait3A_92 = arith.constant 0 : i32
        %dma_wait3A_93 = arith.constant 0 : i32
        %dma_wait3A_94 = tpu.memref_slice %arg6[%run_scoped3A, %dma_wait3A_92, %dma_wait3A_93] : memref<2x80x128xf32, #tpu.memory_space<vmem>> -> memref<1x80x128xf32, #tpu.memory_space<vmem>>
        %dma_wait3A_95 = tpu.memref_squeeze %dma_wait3A_94 : memref<1x80x128xf32, #tpu.memory_space<vmem>> -> memref<80x128xf32, #tpu.memory_space<vmem>>
        tpu.wait_dma2 semaphore(%run_scoped3A_71 : memref<!tpu.dma_semaphore, #tpu.memory_space<semaphore_mem>>) src(%dma_wait3A_95 : memref<80x128xf32, #tpu.memory_space<vmem>>) dst(%dma_wait3A_91 : memref<80x128xf32, #tpu.memory_space<hbm>>)
        tpu.yield
      }) : () -> ()
      %lt3A = arith.constant 9 : i32
      %lt3A_50 = arith.cmpi slt, %scan3A_19, %lt3A : i32
      %convert_element_type3A = arith.extui %lt3A_50 : i1 to i32
      %cond3A = arith.constant 0 : i32
      %cond3A_51 = arith.cmpi ne, %convert_element_type3A, %cond3A : i32
      scf.if %cond3A_51 {
        %mul3A_71 = arith.constant 2 : i32
        %mul3A_72 = arith.muli %mul3A_71, %scan3A_19 : i32
        %add3A_73 = arith.constant 2 : i32
        %add3A_74 = arith.addi %mul3A_72, %add3A_73 : i32
        %dma_start3A_75 = arith.constant 0 : i32
        %dma_start3A_76 = arith.constant 0 : i32
        %dma_start3A_77 = arith.constant 0 : i32
        %dma_start3A_78 = tpu.memref_slice %arg6[%dma_start3A_75, %dma_start3A_76, %dma_start3A_77] : memref<2x80x128xf32, #tpu.memory_space<vmem>> -> memref<1x80x128xf32, #tpu.memory_space<vmem>>
        %dma_start3A_79 = tpu.memref_squeeze %dma_start3A_78 : memref<1x80x128xf32, #tpu.memory_space<vmem>> -> memref<80x128xf32, #tpu.memory_space<vmem>>
        %dma_start3A_80 = arith.constant 0 : i32
        %dma_start3A_81 = tpu.memref_slice %arg5[%add3A_74, %dma_start3A_80] : memref<20x80xi32, #tpu.memory_space<vmem>> -> memref<1x80xi32, #tpu.memory_space<vmem>>
        %dma_start3A_82 = tpu.memref_squeeze %dma_start3A_81 : memref<1x80xi32, #tpu.memory_space<vmem>> -> memref<80xi32, #tpu.memory_space<vmem>>
        %dma_start3A_83 = arith.constant 0 : i32
        %dma_start3A_84 = arith.constant 0 : i32
        %dma_start3A_85 = tpu.memref_slice %arg3[%dma_start3A_83, %dma_start3A_84] : memref<100000x128xf32, #tpu.memory_space<hbm>> -> memref<100000x128xf32, #tpu.memory_space<hbm>>
        tpu.enqueue_indirect_dma source(%dma_start3A_85 : memref<100000x128xf32, #tpu.memory_space<hbm>>) target(%dma_start3A_79 : memref<80x128xf32, #tpu.memory_space<vmem>>) offsets(%dma_start3A_82 : memref<80xi32, #tpu.memory_space<vmem>>) semaphore(%arg7 : memref<!tpu.dma_semaphore, #tpu.memory_space<semaphore_mem>>)
      } else {
      }
      %mul3A_52 = arith.constant 2 : i32
      %mul3A_53 = arith.muli %mul3A_52, %scan3A_19 : i32
      %add3A_54 = arith.constant 1 : i32
      %add3A_55 = arith.addi %mul3A_53, %add3A_54 : i32
      %dma_wait3A_56 = arith.constant 1 : i32
      %dma_wait3A_57 = arith.constant 0 : i32
      %dma_wait3A_58 = arith.constant 0 : i32
      %dma_wait3A_59 = tpu.memref_slice %arg6[%dma_wait3A_56, %dma_wait3A_57, %dma_wait3A_58] : memref<2x80x128xf32, #tpu.memory_space<vmem>> -> memref<1x80x128xf32, #tpu.memory_space<vmem>>
      %dma_wait3A_60 = tpu.memref_squeeze %dma_wait3A_59 : memref<1x80x128xf32, #tpu.memory_space<vmem>> -> memref<80x128xf32, #tpu.memory_space<vmem>>
      %dma_wait3A_61 = arith.constant 0 : i32
      %dma_wait3A_62 = tpu.memref_slice %arg5[%add3A_55, %dma_wait3A_61] : memref<20x80xi32, #tpu.memory_space<vmem>> -> memref<1x80xi32, #tpu.memory_space<vmem>>
      %dma_wait3A_63 = tpu.memref_squeeze %dma_wait3A_62 : memref<1x80xi32, #tpu.memory_space<vmem>> -> memref<80xi32, #tpu.memory_space<vmem>>
      %dma_wait3A_64 = arith.constant 0 : i32
      %dma_wait3A_65 = arith.constant 0 : i32
      %dma_wait3A_66 = tpu.memref_slice %arg3[%dma_wait3A_64, %dma_wait3A_65] : memref<100000x128xf32, #tpu.memory_space<hbm>> -> memref<100000x128xf32, #tpu.memory_space<hbm>>
      tpu.wait_indirect_dma semaphore(%arg8 : memref<!tpu.dma_semaphore, #tpu.memory_space<semaphore_mem>>) src(%dma_wait3A_66 : memref<100000x128xf32, #tpu.memory_space<hbm>>) dst(%dma_wait3A_60 : memref<80x128xf32, #tpu.memory_space<vmem>>)
      %mul3A_67 = arith.constant 80 : i32
      %mul3A_68 = arith.muli %add3A_55, %mul3A_67 : i32
      %add3A_69 = arith.addi %mul3A_2, %mul3A_68 : i32
      %run_scoped3A_70 = arith.constant 1 : i32
      "tpu.region"() ({
        %run_scoped3A_71 = tpu.sem_alloc : memref<!tpu.dma_semaphore, #tpu.memory_space<semaphore_mem>>
        %dma_start3A_72 = arith.constant 0 : i32
        %dma_start3A_73 = arith.constant 0 : i32
        %dma_start3A_74 = tpu.memref_slice %arg6[%run_scoped3A_70, %dma_start3A_72, %dma_start3A_73] : memref<2x80x128xf32, #tpu.memory_space<vmem>> -> memref<1x80x128xf32, #tpu.memory_space<vmem>>
        %dma_start3A_75 = tpu.memref_squeeze %dma_start3A_74 : memref<1x80x128xf32, #tpu.memory_space<vmem>> -> memref<80x128xf32, #tpu.memory_space<vmem>>
        %dma_start3A_76 = arith.constant 0 : i32
        %dma_start3A_77 = tpu.memref_slice %arg4[%add3A_69, %dma_start3A_76] : memref<51200x128xf32, #tpu.memory_space<hbm>> -> memref<80x128xf32, #tpu.memory_space<hbm>>
        %dma_start3A_78 = arith.constant 0 : i32
        %dma_start3A_79 = tpu.memref_slice %arg4[%add3A_69, %dma_start3A_78] : memref<51200x128xf32, #tpu.memory_space<hbm>> -> memref<80x128xf32, #tpu.memory_space<hbm>>
        %dma_start3A_80 = arith.constant 0 : i32
        %dma_start3A_81 = arith.constant 0 : i32
        %dma_start3A_82 = tpu.memref_slice %arg6[%run_scoped3A_70, %dma_start3A_80, %dma_start3A_81] : memref<2x80x128xf32, #tpu.memory_space<vmem>> -> memref<1x80x128xf32, #tpu.memory_space<vmem>>
        %dma_start3A_83 = tpu.memref_squeeze %dma_start3A_82 : memref<1x80x128xf32, #tpu.memory_space<vmem>> -> memref<80x128xf32, #tpu.memory_space<vmem>>
        tpu.enqueue_dma source(%dma_start3A_83 : memref<80x128xf32, #tpu.memory_space<vmem>>) target(%dma_start3A_79 : memref<80x128xf32, #tpu.memory_space<hbm>>) target_semaphore(%run_scoped3A_71 : memref<!tpu.dma_semaphore, #tpu.memory_space<semaphore_mem>>)
        %dma_wait3A_84 = arith.constant 0 : i32
        %dma_wait3A_85 = arith.constant 0 : i32
        %dma_wait3A_86 = tpu.memref_slice %arg6[%run_scoped3A_70, %dma_wait3A_84, %dma_wait3A_85] : memref<2x80x128xf32, #tpu.memory_space<vmem>> -> memref<1x80x128xf32, #tpu.memory_space<vmem>>
        %dma_wait3A_87 = tpu.memref_squeeze %dma_wait3A_86 : memref<1x80x128xf32, #tpu.memory_space<vmem>> -> memref<80x128xf32, #tpu.memory_space<vmem>>
        %dma_wait3A_88 = arith.constant 0 : i32
        %dma_wait3A_89 = tpu.memref_slice %arg4[%add3A_69, %dma_wait3A_88] : memref<51200x128xf32, #tpu.memory_space<hbm>> -> memref<80x128xf32, #tpu.memory_space<hbm>>
        %dma_wait3A_90 = arith.constant 0 : i32
        %dma_wait3A_91 = tpu.memref_slice %arg4[%add3A_69, %dma_wait3A_90] : memref<51200x128xf32, #tpu.memory_space<hbm>> -> memref<80x128xf32, #tpu.memory_space<hbm>>
        %dma_wait3A_92 = arith.constant 0 : i32
        %dma_wait3A_93 = arith.constant 0 : i32
        %dma_wait3A_94 = tpu.memref_slice %arg6[%run_scoped3A_70, %dma_wait3A_92, %dma_wait3A_93] : memref<2x80x128xf32, #tpu.memory_space<vmem>> -> memref<1x80x128xf32, #tpu.memory_space<vmem>>
        %dma_wait3A_95 = tpu.memref_squeeze %dma_wait3A_94 : memref<1x80x128xf32, #tpu.memory_space<vmem>> -> memref<80x128xf32, #tpu.memory_space<vmem>>
        tpu.wait_dma2 semaphore(%run_scoped3A_71 : memref<!tpu.dma_semaphore, #tpu.memory_space<semaphore_mem>>) src(%dma_wait3A_95 : memref<80x128xf32, #tpu.memory_space<vmem>>) dst(%dma_wait3A_91 : memref<80x128xf32, #tpu.memory_space<hbm>>)
        tpu.yield
      }) : () -> ()
    }
    %scan3A_18 = arith.constant 10 : i32
    return
  }
}

#map = affine_map<(d0, d1) -> (0, 0, 0)>
#map1 = affine_map<(d0, d1) -> (0, 0)>
module attributes {stable_mosaic.version = 14 : i64} {
  func.func @gather_k(%arg0: i32, %arg1: i32, %arg2: memref<32x20x80xi32, #tpu.memory_space<hbm>>, %arg3: memref<100000x128xf32, #tpu.memory_space<hbm>>, %arg4: memref<51200x128xf32, #tpu.memory_space<hbm>>, %arg5: memref<20x80xi32, #tpu.memory_space<vmem>>, %arg6: memref<2x80x128xf32, #tpu.memory_space<vmem>>, %arg7: memref<!tpu.dma_semaphore, #tpu.memory_space<semaphore_mem>>, %arg8: memref<!tpu.dma_semaphore, #tpu.memory_space<semaphore_mem>>) attributes {dimension_semantics = [#tpu.dimension_semantics<core_parallel>, #tpu.dimension_semantics<subcore_parallel>], iteration_bounds = array<i64: 2, 16>, scalar_prefetch = 0 : i64, scratch_operands = 4 : i64, tpu.core_type = #tpu.core_type<sc_vector_subcore>, window_params = [{transform_indices = #map}, {transform_indices = #map1}, {transform_indices = #map1}]} {
    %mul3A = arith.constant 2 : i32
    %mul3A_0 = arith.muli %arg1, %mul3A : i32
    %add3A = arith.addi %mul3A_0, %arg0 : i32
    "tpu.region"() ({
      %run_scoped3A = tpu.sem_alloc : memref<!tpu.dma_semaphore, #tpu.memory_space<semaphore_mem>>
      %dma_start3A_19 = arith.constant 0 : i32
      %dma_start3A_20 = arith.constant 0 : i32
      %dma_start3A_21 = tpu.memref_slice %arg2[%add3A, %dma_start3A_19, %dma_start3A_20] : memref<32x20x80xi32, #tpu.memory_space<hbm>> -> memref<1x20x80xi32, #tpu.memory_space<hbm>>
      %dma_start3A_22 = tpu.memref_squeeze %dma_start3A_21 : memref<1x20x80xi32, #tpu.memory_space<hbm>> -> memref<20x80xi32, #tpu.memory_space<hbm>>
      %dma_start3A_23 = arith.constant 0 : i32
      %dma_start3A_24 = arith.constant 0 : i32
      %dma_start3A_25 = tpu.memref_slice %arg2[%add3A, %dma_start3A_23, %dma_start3A_24] : memref<32x20x80xi32, #tpu.memory_space<hbm>> -> memref<1x20x80xi32, #tpu.memory_space<hbm>>
      %dma_start3A_26 = tpu.memref_squeeze %dma_start3A_25 : memref<1x20x80xi32, #tpu.memory_space<hbm>> -> memref<20x80xi32, #tpu.memory_space<hbm>>
      tpu.enqueue_dma source(%dma_start3A_26 : memref<20x80xi32, #tpu.memory_space<hbm>>) target(%arg5 : memref<20x80xi32, #tpu.memory_space<vmem>>) target_semaphore(%run_scoped3A : memref<!tpu.dma_semaphore, #tpu.memory_space<semaphore_mem>>)
      %dma_wait3A = arith.constant 0 : i32
      %dma_wait3A_27 = arith.constant 0 : i32
      %dma_wait3A_28 = tpu.memref_slice %arg2[%add3A, %dma_wait3A, %dma_wait3A_27] : memref<32x20x80xi32, #tpu.memory_space<hbm>> -> memref<1x20x80xi32, #tpu.memory_space<hbm>>
      %dma_wait3A_29 = tpu.memref_squeeze %dma_wait3A_28 : memref<1x20x80xi32, #tpu.memory_space<hbm>> -> memref<20x80xi32, #tpu.memory_space<hbm>>
      %dma_wait3A_30 = arith.constant 0 : i32
      %dma_wait3A_31 = arith.constant 0 : i32
      %dma_wait3A_32 = tpu.memref_slice %arg2[%add3A, %dma_wait3A_30, %dma_wait3A_31] : memref<32x20x80xi32, #tpu.memory_space<hbm>> -> memref<1x20x80xi32, #tpu.memory_space<hbm>>
      %dma_wait3A_33 = tpu.memref_squeeze %dma_wait3A_32 : memref<1x20x80xi32, #tpu.memory_space<hbm>> -> memref<20x80xi32, #tpu.memory_space<hbm>>
      tpu.wait_dma2 semaphore(%run_scoped3A : memref<!tpu.dma_semaphore, #tpu.memory_space<semaphore_mem>>) src(%dma_wait3A_33 : memref<20x80xi32, #tpu.memory_space<hbm>>) dst(%arg5 : memref<20x80xi32, #tpu.memory_space<vmem>>)
      tpu.yield
    }) : () -> ()
    %mul3A_1 = arith.constant 1600 : i32
    %mul3A_2 = arith.muli %add3A, %mul3A_1 : i32
    %dma_start3A = arith.constant 0 : i32
    %dma_start3A_3 = arith.constant 0 : i32
    %dma_start3A_4 = arith.constant 0 : i32
    %dma_start3A_5 = arith.constant 0 : i32
    %dma_start3A_6 = tpu.memref_slice %arg6[%dma_start3A_3, %dma_start3A_4, %dma_start3A_5] : memref<2x80x128xf32, #tpu.memory_space<vmem>> -> memref<1x80x128xf32, #tpu.memory_space<vmem>>
    %dma_start3A_7 = tpu.memref_squeeze %dma_start3A_6 : memref<1x80x128xf32, #tpu.memory_space<vmem>> -> memref<80x128xf32, #tpu.memory_space<vmem>>
    %dma_start3A_8 = arith.constant 0 : i32
    %dma_start3A_9 = tpu.memref_slice %arg5[%dma_start3A, %dma_start3A_8] : memref<20x80xi32, #tpu.memory_space<vmem>> -> memref<1x80xi32, #tpu.memory_space<vmem>>
    %dma_start3A_10 = tpu.memref_squeeze %dma_start3A_9 : memref<1x80xi32, #tpu.memory_space<vmem>> -> memref<80xi32, #tpu.memory_space<vmem>>
    %dma_start3A_11 = arith.constant 0 : i32
    %dma_start3A_12 = arith.constant 0 : i32
    %dma_start3A_13 = tpu.memref_slice %arg3[%dma_start3A_11, %dma_start3A_12] : memref<100000x128xf32, #tpu.memory_space<hbm>> -> memref<100000x128xf32, #tpu.memory_space<hbm>>
    tpu.enqueue_indirect_dma source(%dma_start3A_13 : memref<100000x128xf32, #tpu.memory_space<hbm>>) target(%dma_start3A_7 : memref<80x128xf32, #tpu.memory_space<vmem>>) offsets(%dma_start3A_10 : memref<80xi32, #tpu.memory_space<vmem>>) semaphore(%arg7 : memref<!tpu.dma_semaphore, #tpu.memory_space<semaphore_mem>>)
    %scan3A = arith.constant 0 : i32
    %scan3A_14 = arith.constant 0 : i32
    %scan3A_15 = arith.constant 10 : i32
    %scan3A_16 = arith.addi %scan3A_14, %scan3A_15 : i32
    %scan3A_17 = arith.constant 1 : i32
    scf.for %scan3A_19 = %scan3A_14 to %scan3A_16 step %scan3A_17  : i32 {
      %mul3A_20 = arith.constant 2 : i32
      %mul3A_21 = arith.muli %mul3A_20, %scan3A_19 : i32
      %add3A_22 = arith.constant 1 : i32
      %add3A_23 = arith.addi %mul3A_21, %add3A_22 : i32
      %dma_start3A_24 = arith.constant 1 : i32
      %dma_start3A_25 = arith.constant 0 : i32
      %dma_start3A_26 = arith.constant 0 : i32
      %dma_start3A_27 = tpu.memref_slice %arg6[%dma_start3A_24, %dma_start3A_25, %dma_start3A_26] : memref<2x80x128xf32, #tpu.memory_space<vmem>> -> memref<1x80x128xf32, #tpu.memory_space<vmem>>
      %dma_start3A_28 = tpu.memref_squeeze %dma_start3A_27 : memref<1x80x128xf32, #tpu.memory_space<vmem>> -> memref<80x128xf32, #tpu.memory_space<vmem>>
      %dma_start3A_29 = arith.constant 0 : i32
      %dma_start3A_30 = tpu.memref_slice %arg5[%add3A_23, %dma_start3A_29] : memref<20x80xi32, #tpu.memory_space<vmem>> -> memref<1x80xi32, #tpu.memory_space<vmem>>
      %dma_start3A_31 = tpu.memref_squeeze %dma_start3A_30 : memref<1x80xi32, #tpu.memory_space<vmem>> -> memref<80xi32, #tpu.memory_space<vmem>>
      %dma_start3A_32 = arith.constant 0 : i32
      %dma_start3A_33 = arith.constant 0 : i32
      %dma_start3A_34 = tpu.memref_slice %arg3[%dma_start3A_32, %dma_start3A_33] : memref<100000x128xf32, #tpu.memory_space<hbm>> -> memref<100000x128xf32, #tpu.memory_space<hbm>>
      tpu.enqueue_indirect_dma source(%dma_start3A_34 : memref<100000x128xf32, #tpu.memory_space<hbm>>) target(%dma_start3A_28 : memref<80x128xf32, #tpu.memory_space<vmem>>) offsets(%dma_start3A_31 : memref<80xi32, #tpu.memory_space<vmem>>) semaphore(%arg8 : memref<!tpu.dma_semaphore, #tpu.memory_space<semaphore_mem>>)
      %mul3A_35 = arith.constant 2 : i32
      %mul3A_36 = arith.muli %mul3A_35, %scan3A_19 : i32
      %dma_wait3A = arith.constant 0 : i32
      %dma_wait3A_37 = arith.constant 0 : i32
      %dma_wait3A_38 = arith.constant 0 : i32
      %dma_wait3A_39 = tpu.memref_slice %arg6[%dma_wait3A, %dma_wait3A_37, %dma_wait3A_38] : memref<2x80x128xf32, #tpu.memory_space<vmem>> -> memref<1x80x128xf32, #tpu.memory_space<vmem>>
      %dma_wait3A_40 = tpu.memref_squeeze %dma_wait3A_39 : memref<1x80x128xf32, #tpu.memory_space<vmem>> -> memref<80x128xf32, #tpu.memory_space<vmem>>
      %dma_wait3A_41 = arith.constant 0 : i32
      %dma_wait3A_42 = tpu.memref_slice %arg5[%mul3A_36, %dma_wait3A_41] : memref<20x80xi32, #tpu.memory_space<vmem>> -> memref<1x80xi32, #tpu.memory_space<vmem>>
      %dma_wait3A_43 = tpu.memref_squeeze %dma_wait3A_42 : memref<1x80xi32, #tpu.memory_space<vmem>> -> memref<80xi32, #tpu.memory_space<vmem>>
      %dma_wait3A_44 = arith.constant 0 : i32
      %dma_wait3A_45 = arith.constant 0 : i32
      %dma_wait3A_46 = tpu.memref_slice %arg3[%dma_wait3A_44, %dma_wait3A_45] : memref<100000x128xf32, #tpu.memory_space<hbm>> -> memref<100000x128xf32, #tpu.memory_space<hbm>>
      tpu.wait_indirect_dma semaphore(%arg7 : memref<!tpu.dma_semaphore, #tpu.memory_space<semaphore_mem>>) src(%dma_wait3A_46 : memref<100000x128xf32, #tpu.memory_space<hbm>>) dst(%dma_wait3A_40 : memref<80x128xf32, #tpu.memory_space<vmem>>)
      %mul3A_47 = arith.constant 80 : i32
      %mul3A_48 = arith.muli %mul3A_36, %mul3A_47 : i32
      %add3A_49 = arith.addi %mul3A_2, %mul3A_48 : i32
      %run_scoped3A = arith.constant 0 : i32
      "tpu.region"() ({
        %run_scoped3A_71 = tpu.sem_alloc : memref<!tpu.dma_semaphore, #tpu.memory_space<semaphore_mem>>
        %dma_start3A_72 = arith.constant 0 : i32
        %dma_start3A_73 = arith.constant 0 : i32
        %dma_start3A_74 = tpu.memref_slice %arg6[%run_scoped3A, %dma_start3A_72, %dma_start3A_73] : memref<2x80x128xf32, #tpu.memory_space<vmem>> -> memref<1x80x128xf32, #tpu.memory_space<vmem>>
        %dma_start3A_75 = tpu.memref_squeeze %dma_start3A_74 : memref<1x80x128xf32, #tpu.memory_space<vmem>> -> memref<80x128xf32, #tpu.memory_space<vmem>>
        %dma_start3A_76 = arith.constant 0 : i32
        %dma_start3A_77 = tpu.memref_slice %arg4[%add3A_49, %dma_start3A_76] : memref<51200x128xf32, #tpu.memory_space<hbm>> -> memref<80x128xf32, #tpu.memory_space<hbm>>
        %dma_start3A_78 = arith.constant 0 : i32
        %dma_start3A_79 = tpu.memref_slice %arg4[%add3A_49, %dma_start3A_78] : memref<51200x128xf32, #tpu.memory_space<hbm>> -> memref<80x128xf32, #tpu.memory_space<hbm>>
        %dma_start3A_80 = arith.constant 0 : i32
        %dma_start3A_81 = arith.constant 0 : i32
        %dma_start3A_82 = tpu.memref_slice %arg6[%run_scoped3A, %dma_start3A_80, %dma_start3A_81] : memref<2x80x128xf32, #tpu.memory_space<vmem>> -> memref<1x80x128xf32, #tpu.memory_space<vmem>>
        %dma_start3A_83 = tpu.memref_squeeze %dma_start3A_82 : memref<1x80x128xf32, #tpu.memory_space<vmem>> -> memref<80x128xf32, #tpu.memory_space<vmem>>
        tpu.enqueue_dma source(%dma_start3A_83 : memref<80x128xf32, #tpu.memory_space<vmem>>) target(%dma_start3A_79 : memref<80x128xf32, #tpu.memory_space<hbm>>) target_semaphore(%run_scoped3A_71 : memref<!tpu.dma_semaphore, #tpu.memory_space<semaphore_mem>>)
        %dma_wait3A_84 = arith.constant 0 : i32
        %dma_wait3A_85 = arith.constant 0 : i32
        %dma_wait3A_86 = tpu.memref_slice %arg6[%run_scoped3A, %dma_wait3A_84, %dma_wait3A_85] : memref<2x80x128xf32, #tpu.memory_space<vmem>> -> memref<1x80x128xf32, #tpu.memory_space<vmem>>
        %dma_wait3A_87 = tpu.memref_squeeze %dma_wait3A_86 : memref<1x80x128xf32, #tpu.memory_space<vmem>> -> memref<80x128xf32, #tpu.memory_space<vmem>>
        %dma_wait3A_88 = arith.constant 0 : i32
        %dma_wait3A_89 = tpu.memref_slice %arg4[%add3A_49, %dma_wait3A_88] : memref<51200x128xf32, #tpu.memory_space<hbm>> -> memref<80x128xf32, #tpu.memory_space<hbm>>
        %dma_wait3A_90 = arith.constant 0 : i32
        %dma_wait3A_91 = tpu.memref_slice %arg4[%add3A_49, %dma_wait3A_90] : memref<51200x128xf32, #tpu.memory_space<hbm>> -> memref<80x128xf32, #tpu.memory_space<hbm>>
        %dma_wait3A_92 = arith.constant 0 : i32
        %dma_wait3A_93 = arith.constant 0 : i32
        %dma_wait3A_94 = tpu.memref_slice %arg6[%run_scoped3A, %dma_wait3A_92, %dma_wait3A_93] : memref<2x80x128xf32, #tpu.memory_space<vmem>> -> memref<1x80x128xf32, #tpu.memory_space<vmem>>
        %dma_wait3A_95 = tpu.memref_squeeze %dma_wait3A_94 : memref<1x80x128xf32, #tpu.memory_space<vmem>> -> memref<80x128xf32, #tpu.memory_space<vmem>>
        tpu.wait_dma2 semaphore(%run_scoped3A_71 : memref<!tpu.dma_semaphore, #tpu.memory_space<semaphore_mem>>) src(%dma_wait3A_95 : memref<80x128xf32, #tpu.memory_space<vmem>>) dst(%dma_wait3A_91 : memref<80x128xf32, #tpu.memory_space<hbm>>)
        tpu.yield
      }) : () -> ()
      %lt3A = arith.constant 9 : i32
      %lt3A_50 = arith.cmpi slt, %scan3A_19, %lt3A : i32
      %convert_element_type3A = arith.extui %lt3A_50 : i1 to i32
      %cond3A = arith.constant 0 : i32
      %cond3A_51 = arith.cmpi ne, %convert_element_type3A, %cond3A : i32
      scf.if %cond3A_51 {
        %mul3A_71 = arith.constant 2 : i32
        %mul3A_72 = arith.muli %mul3A_71, %scan3A_19 : i32
        %add3A_73 = arith.constant 2 : i32
        %add3A_74 = arith.addi %mul3A_72, %add3A_73 : i32
        %dma_start3A_75 = arith.constant 0 : i32
        %dma_start3A_76 = arith.constant 0 : i32
        %dma_start3A_77 = arith.constant 0 : i32
        %dma_start3A_78 = tpu.memref_slice %arg6[%dma_start3A_75, %dma_start3A_76, %dma_start3A_77] : memref<2x80x128xf32, #tpu.memory_space<vmem>> -> memref<1x80x128xf32, #tpu.memory_space<vmem>>
        %dma_start3A_79 = tpu.memref_squeeze %dma_start3A_78 : memref<1x80x128xf32, #tpu.memory_space<vmem>> -> memref<80x128xf32, #tpu.memory_space<vmem>>
        %dma_start3A_80 = arith.constant 0 : i32
        %dma_start3A_81 = tpu.memref_slice %arg5[%add3A_74, %dma_start3A_80] : memref<20x80xi32, #tpu.memory_space<vmem>> -> memref<1x80xi32, #tpu.memory_space<vmem>>
        %dma_start3A_82 = tpu.memref_squeeze %dma_start3A_81 : memref<1x80xi32, #tpu.memory_space<vmem>> -> memref<80xi32, #tpu.memory_space<vmem>>
        %dma_start3A_83 = arith.constant 0 : i32
        %dma_start3A_84 = arith.constant 0 : i32
        %dma_start3A_85 = tpu.memref_slice %arg3[%dma_start3A_83, %dma_start3A_84] : memref<100000x128xf32, #tpu.memory_space<hbm>> -> memref<100000x128xf32, #tpu.memory_space<hbm>>
        tpu.enqueue_indirect_dma source(%dma_start3A_85 : memref<100000x128xf32, #tpu.memory_space<hbm>>) target(%dma_start3A_79 : memref<80x128xf32, #tpu.memory_space<vmem>>) offsets(%dma_start3A_82 : memref<80xi32, #tpu.memory_space<vmem>>) semaphore(%arg7 : memref<!tpu.dma_semaphore, #tpu.memory_space<semaphore_mem>>)
      } else {
      }
      %mul3A_52 = arith.constant 2 : i32
      %mul3A_53 = arith.muli %mul3A_52, %scan3A_19 : i32
      %add3A_54 = arith.constant 1 : i32
      %add3A_55 = arith.addi %mul3A_53, %add3A_54 : i32
      %dma_wait3A_56 = arith.constant 1 : i32
      %dma_wait3A_57 = arith.constant 0 : i32
      %dma_wait3A_58 = arith.constant 0 : i32
      %dma_wait3A_59 = tpu.memref_slice %arg6[%dma_wait3A_56, %dma_wait3A_57, %dma_wait3A_58] : memref<2x80x128xf32, #tpu.memory_space<vmem>> -> memref<1x80x128xf32, #tpu.memory_space<vmem>>
      %dma_wait3A_60 = tpu.memref_squeeze %dma_wait3A_59 : memref<1x80x128xf32, #tpu.memory_space<vmem>> -> memref<80x128xf32, #tpu.memory_space<vmem>>
      %dma_wait3A_61 = arith.constant 0 : i32
      %dma_wait3A_62 = tpu.memref_slice %arg5[%add3A_55, %dma_wait3A_61] : memref<20x80xi32, #tpu.memory_space<vmem>> -> memref<1x80xi32, #tpu.memory_space<vmem>>
      %dma_wait3A_63 = tpu.memref_squeeze %dma_wait3A_62 : memref<1x80xi32, #tpu.memory_space<vmem>> -> memref<80xi32, #tpu.memory_space<vmem>>
      %dma_wait3A_64 = arith.constant 0 : i32
      %dma_wait3A_65 = arith.constant 0 : i32
      %dma_wait3A_66 = tpu.memref_slice %arg3[%dma_wait3A_64, %dma_wait3A_65] : memref<100000x128xf32, #tpu.memory_space<hbm>> -> memref<100000x128xf32, #tpu.memory_space<hbm>>
      tpu.wait_indirect_dma semaphore(%arg8 : memref<!tpu.dma_semaphore, #tpu.memory_space<semaphore_mem>>) src(%dma_wait3A_66 : memref<100000x128xf32, #tpu.memory_space<hbm>>) dst(%dma_wait3A_60 : memref<80x128xf32, #tpu.memory_space<vmem>>)
      %mul3A_67 = arith.constant 80 : i32
      %mul3A_68 = arith.muli %add3A_55, %mul3A_67 : i32
      %add3A_69 = arith.addi %mul3A_2, %mul3A_68 : i32
      %run_scoped3A_70 = arith.constant 1 : i32
      "tpu.region"() ({
        %run_scoped3A_71 = tpu.sem_alloc : memref<!tpu.dma_semaphore, #tpu.memory_space<semaphore_mem>>
        %dma_start3A_72 = arith.constant 0 : i32
        %dma_start3A_73 = arith.constant 0 : i32
        %dma_start3A_74 = tpu.memref_slice %arg6[%run_scoped3A_70, %dma_start3A_72, %dma_start3A_73] : memref<2x80x128xf32, #tpu.memory_space<vmem>> -> memref<1x80x128xf32, #tpu.memory_space<vmem>>
        %dma_start3A_75 = tpu.memref_squeeze %dma_start3A_74 : memref<1x80x128xf32, #tpu.memory_space<vmem>> -> memref<80x128xf32, #tpu.memory_space<vmem>>
        %dma_start3A_76 = arith.constant 0 : i32
        %dma_start3A_77 = tpu.memref_slice %arg4[%add3A_69, %dma_start3A_76] : memref<51200x128xf32, #tpu.memory_space<hbm>> -> memref<80x128xf32, #tpu.memory_space<hbm>>
        %dma_start3A_78 = arith.constant 0 : i32
        %dma_start3A_79 = tpu.memref_slice %arg4[%add3A_69, %dma_start3A_78] : memref<51200x128xf32, #tpu.memory_space<hbm>> -> memref<80x128xf32, #tpu.memory_space<hbm>>
        %dma_start3A_80 = arith.constant 0 : i32
        %dma_start3A_81 = arith.constant 0 : i32
        %dma_start3A_82 = tpu.memref_slice %arg6[%run_scoped3A_70, %dma_start3A_80, %dma_start3A_81] : memref<2x80x128xf32, #tpu.memory_space<vmem>> -> memref<1x80x128xf32, #tpu.memory_space<vmem>>
        %dma_start3A_83 = tpu.memref_squeeze %dma_start3A_82 : memref<1x80x128xf32, #tpu.memory_space<vmem>> -> memref<80x128xf32, #tpu.memory_space<vmem>>
        tpu.enqueue_dma source(%dma_start3A_83 : memref<80x128xf32, #tpu.memory_space<vmem>>) target(%dma_start3A_79 : memref<80x128xf32, #tpu.memory_space<hbm>>) target_semaphore(%run_scoped3A_71 : memref<!tpu.dma_semaphore, #tpu.memory_space<semaphore_mem>>)
        %dma_wait3A_84 = arith.constant 0 : i32
        %dma_wait3A_85 = arith.constant 0 : i32
        %dma_wait3A_86 = tpu.memref_slice %arg6[%run_scoped3A_70, %dma_wait3A_84, %dma_wait3A_85] : memref<2x80x128xf32, #tpu.memory_space<vmem>> -> memref<1x80x128xf32, #tpu.memory_space<vmem>>
        %dma_wait3A_87 = tpu.memref_squeeze %dma_wait3A_86 : memref<1x80x128xf32, #tpu.memory_space<vmem>> -> memref<80x128xf32, #tpu.memory_space<vmem>>
        %dma_wait3A_88 = arith.constant 0 : i32
        %dma_wait3A_89 = tpu.memref_slice %arg4[%add3A_69, %dma_wait3A_88] : memref<51200x128xf32, #tpu.memory_space<hbm>> -> memref<80x128xf32, #tpu.memory_space<hbm>>
        %dma_wait3A_90 = arith.constant 0 : i32
        %dma_wait3A_91 = tpu.memref_slice %arg4[%add3A_69, %dma_wait3A_90] : memref<51200x128xf32, #tpu.memory_space<hbm>> -> memref<80x128xf32, #tpu.memory_space<hbm>>
        %dma_wait3A_92 = arith.constant 0 : i32
        %dma_wait3A_93 = arith.constant 0 : i32
        %dma_wait3A_94 = tpu.memref_slice %arg6[%run_scoped3A_70, %dma_wait3A_92, %dma_wait3A_93] : memref<2x80x128xf32, #tpu.memory_space<vmem>> -> memref<1x80x128xf32, #tpu.memory_space<vmem>>
        %dma_wait3A_95 = tpu.memref_squeeze %dma_wait3A_94 : memref<1x80x128xf32, #tpu.memory_space<vmem>> -> memref<80x128xf32, #tpu.memory_space<vmem>>
        tpu.wait_dma2 semaphore(%run_scoped3A_71 : memref<!tpu.dma_semaphore, #tpu.memory_space<semaphore_mem>>) src(%dma_wait3A_95 : memref<80x128xf32, #tpu.memory_space<vmem>>) dst(%dma_wait3A_91 : memref<80x128xf32, #tpu.memory_space<hbm>>)
        tpu.yield
      }) : () -> ()
    }
    %scan3A_18 = arith.constant 10 : i32
    return
  }
}

#map = affine_map<(d0, d1) -> (0, 0, 0)>
#map1 = affine_map<(d0, d1) -> (0, 0)>
module attributes {stable_mosaic.version = 14 : i64} {
  func.func @gather_k(%arg0: i32, %arg1: i32, %arg2: memref<32x20x80xi32, #tpu.memory_space<hbm>>, %arg3: memref<100000x128xf32, #tpu.memory_space<hbm>>, %arg4: memref<51200x128xf32, #tpu.memory_space<hbm>>, %arg5: memref<20x80xi32, #tpu.memory_space<vmem>>, %arg6: memref<2x80x128xf32, #tpu.memory_space<vmem>>, %arg7: memref<!tpu.dma_semaphore, #tpu.memory_space<semaphore_mem>>, %arg8: memref<!tpu.dma_semaphore, #tpu.memory_space<semaphore_mem>>) attributes {dimension_semantics = [#tpu.dimension_semantics<core_parallel>, #tpu.dimension_semantics<subcore_parallel>], iteration_bounds = array<i64: 2, 16>, scalar_prefetch = 0 : i64, scratch_operands = 4 : i64, tpu.core_type = #tpu.core_type<sc_vector_subcore>, window_params = [{transform_indices = #map}, {transform_indices = #map1}, {transform_indices = #map1}]} {
    %mul3A = arith.constant 2 : i32
    %mul3A_0 = arith.muli %arg1, %mul3A : i32
    %add3A = arith.addi %mul3A_0, %arg0 : i32
    "tpu.region"() ({
      %run_scoped3A = tpu.sem_alloc : memref<!tpu.dma_semaphore, #tpu.memory_space<semaphore_mem>>
      %dma_start3A_19 = arith.constant 0 : i32
      %dma_start3A_20 = arith.constant 0 : i32
      %dma_start3A_21 = tpu.memref_slice %arg2[%add3A, %dma_start3A_19, %dma_start3A_20] : memref<32x20x80xi32, #tpu.memory_space<hbm>> -> memref<1x20x80xi32, #tpu.memory_space<hbm>>
      %dma_start3A_22 = tpu.memref_squeeze %dma_start3A_21 : memref<1x20x80xi32, #tpu.memory_space<hbm>> -> memref<20x80xi32, #tpu.memory_space<hbm>>
      %dma_start3A_23 = arith.constant 0 : i32
      %dma_start3A_24 = arith.constant 0 : i32
      %dma_start3A_25 = tpu.memref_slice %arg2[%add3A, %dma_start3A_23, %dma_start3A_24] : memref<32x20x80xi32, #tpu.memory_space<hbm>> -> memref<1x20x80xi32, #tpu.memory_space<hbm>>
      %dma_start3A_26 = tpu.memref_squeeze %dma_start3A_25 : memref<1x20x80xi32, #tpu.memory_space<hbm>> -> memref<20x80xi32, #tpu.memory_space<hbm>>
      tpu.enqueue_dma source(%dma_start3A_26 : memref<20x80xi32, #tpu.memory_space<hbm>>) target(%arg5 : memref<20x80xi32, #tpu.memory_space<vmem>>) target_semaphore(%run_scoped3A : memref<!tpu.dma_semaphore, #tpu.memory_space<semaphore_mem>>)
      %dma_wait3A = arith.constant 0 : i32
      %dma_wait3A_27 = arith.constant 0 : i32
      %dma_wait3A_28 = tpu.memref_slice %arg2[%add3A, %dma_wait3A, %dma_wait3A_27] : memref<32x20x80xi32, #tpu.memory_space<hbm>> -> memref<1x20x80xi32, #tpu.memory_space<hbm>>
      %dma_wait3A_29 = tpu.memref_squeeze %dma_wait3A_28 : memref<1x20x80xi32, #tpu.memory_space<hbm>> -> memref<20x80xi32, #tpu.memory_space<hbm>>
      %dma_wait3A_30 = arith.constant 0 : i32
      %dma_wait3A_31 = arith.constant 0 : i32
      %dma_wait3A_32 = tpu.memref_slice %arg2[%add3A, %dma_wait3A_30, %dma_wait3A_31] : memref<32x20x80xi32, #tpu.memory_space<hbm>> -> memref<1x20x80xi32, #tpu.memory_space<hbm>>
      %dma_wait3A_33 = tpu.memref_squeeze %dma_wait3A_32 : memref<1x20x80xi32, #tpu.memory_space<hbm>> -> memref<20x80xi32, #tpu.memory_space<hbm>>
      tpu.wait_dma2 semaphore(%run_scoped3A : memref<!tpu.dma_semaphore, #tpu.memory_space<semaphore_mem>>) src(%dma_wait3A_33 : memref<20x80xi32, #tpu.memory_space<hbm>>) dst(%arg5 : memref<20x80xi32, #tpu.memory_space<vmem>>)
      tpu.yield
    }) : () -> ()
    %mul3A_1 = arith.constant 1600 : i32
    %mul3A_2 = arith.muli %add3A, %mul3A_1 : i32
    %dma_start3A = arith.constant 0 : i32
    %dma_start3A_3 = arith.constant 0 : i32
    %dma_start3A_4 = arith.constant 0 : i32
    %dma_start3A_5 = arith.constant 0 : i32
    %dma_start3A_6 = tpu.memref_slice %arg6[%dma_start3A_3, %dma_start3A_4, %dma_start3A_5] : memref<2x80x128xf32, #tpu.memory_space<vmem>> -> memref<1x80x128xf32, #tpu.memory_space<vmem>>
    %dma_start3A_7 = tpu.memref_squeeze %dma_start3A_6 : memref<1x80x128xf32, #tpu.memory_space<vmem>> -> memref<80x128xf32, #tpu.memory_space<vmem>>
    %dma_start3A_8 = arith.constant 0 : i32
    %dma_start3A_9 = tpu.memref_slice %arg5[%dma_start3A, %dma_start3A_8] : memref<20x80xi32, #tpu.memory_space<vmem>> -> memref<1x80xi32, #tpu.memory_space<vmem>>
    %dma_start3A_10 = tpu.memref_squeeze %dma_start3A_9 : memref<1x80xi32, #tpu.memory_space<vmem>> -> memref<80xi32, #tpu.memory_space<vmem>>
    %dma_start3A_11 = arith.constant 0 : i32
    %dma_start3A_12 = arith.constant 0 : i32
    %dma_start3A_13 = tpu.memref_slice %arg3[%dma_start3A_11, %dma_start3A_12] : memref<100000x128xf32, #tpu.memory_space<hbm>> -> memref<100000x128xf32, #tpu.memory_space<hbm>>
    tpu.enqueue_indirect_dma source(%dma_start3A_13 : memref<100000x128xf32, #tpu.memory_space<hbm>>) target(%dma_start3A_7 : memref<80x128xf32, #tpu.memory_space<vmem>>) offsets(%dma_start3A_10 : memref<80xi32, #tpu.memory_space<vmem>>) semaphore(%arg7 : memref<!tpu.dma_semaphore, #tpu.memory_space<semaphore_mem>>)
    %scan3A = arith.constant 0 : i32
    %scan3A_14 = arith.constant 0 : i32
    %scan3A_15 = arith.constant 10 : i32
    %scan3A_16 = arith.addi %scan3A_14, %scan3A_15 : i32
    %scan3A_17 = arith.constant 1 : i32
    scf.for %scan3A_19 = %scan3A_14 to %scan3A_16 step %scan3A_17  : i32 {
      %mul3A_20 = arith.constant 2 : i32
      %mul3A_21 = arith.muli %mul3A_20, %scan3A_19 : i32
      %add3A_22 = arith.constant 1 : i32
      %add3A_23 = arith.addi %mul3A_21, %add3A_22 : i32
      %dma_start3A_24 = arith.constant 1 : i32
      %dma_start3A_25 = arith.constant 0 : i32
      %dma_start3A_26 = arith.constant 0 : i32
      %dma_start3A_27 = tpu.memref_slice %arg6[%dma_start3A_24, %dma_start3A_25, %dma_start3A_26] : memref<2x80x128xf32, #tpu.memory_space<vmem>> -> memref<1x80x128xf32, #tpu.memory_space<vmem>>
      %dma_start3A_28 = tpu.memref_squeeze %dma_start3A_27 : memref<1x80x128xf32, #tpu.memory_space<vmem>> -> memref<80x128xf32, #tpu.memory_space<vmem>>
      %dma_start3A_29 = arith.constant 0 : i32
      %dma_start3A_30 = tpu.memref_slice %arg5[%add3A_23, %dma_start3A_29] : memref<20x80xi32, #tpu.memory_space<vmem>> -> memref<1x80xi32, #tpu.memory_space<vmem>>
      %dma_start3A_31 = tpu.memref_squeeze %dma_start3A_30 : memref<1x80xi32, #tpu.memory_space<vmem>> -> memref<80xi32, #tpu.memory_space<vmem>>
      %dma_start3A_32 = arith.constant 0 : i32
      %dma_start3A_33 = arith.constant 0 : i32
      %dma_start3A_34 = tpu.memref_slice %arg3[%dma_start3A_32, %dma_start3A_33] : memref<100000x128xf32, #tpu.memory_space<hbm>> -> memref<100000x128xf32, #tpu.memory_space<hbm>>
      tpu.enqueue_indirect_dma source(%dma_start3A_34 : memref<100000x128xf32, #tpu.memory_space<hbm>>) target(%dma_start3A_28 : memref<80x128xf32, #tpu.memory_space<vmem>>) offsets(%dma_start3A_31 : memref<80xi32, #tpu.memory_space<vmem>>) semaphore(%arg8 : memref<!tpu.dma_semaphore, #tpu.memory_space<semaphore_mem>>)
      %mul3A_35 = arith.constant 2 : i32
      %mul3A_36 = arith.muli %mul3A_35, %scan3A_19 : i32
      %dma_wait3A = arith.constant 0 : i32
      %dma_wait3A_37 = arith.constant 0 : i32
      %dma_wait3A_38 = arith.constant 0 : i32
      %dma_wait3A_39 = tpu.memref_slice %arg6[%dma_wait3A, %dma_wait3A_37, %dma_wait3A_38] : memref<2x80x128xf32, #tpu.memory_space<vmem>> -> memref<1x80x128xf32, #tpu.memory_space<vmem>>
      %dma_wait3A_40 = tpu.memref_squeeze %dma_wait3A_39 : memref<1x80x128xf32, #tpu.memory_space<vmem>> -> memref<80x128xf32, #tpu.memory_space<vmem>>
      %dma_wait3A_41 = arith.constant 0 : i32
      %dma_wait3A_42 = tpu.memref_slice %arg5[%mul3A_36, %dma_wait3A_41] : memref<20x80xi32, #tpu.memory_space<vmem>> -> memref<1x80xi32, #tpu.memory_space<vmem>>
      %dma_wait3A_43 = tpu.memref_squeeze %dma_wait3A_42 : memref<1x80xi32, #tpu.memory_space<vmem>> -> memref<80xi32, #tpu.memory_space<vmem>>
      %dma_wait3A_44 = arith.constant 0 : i32
      %dma_wait3A_45 = arith.constant 0 : i32
      %dma_wait3A_46 = tpu.memref_slice %arg3[%dma_wait3A_44, %dma_wait3A_45] : memref<100000x128xf32, #tpu.memory_space<hbm>> -> memref<100000x128xf32, #tpu.memory_space<hbm>>
      tpu.wait_indirect_dma semaphore(%arg7 : memref<!tpu.dma_semaphore, #tpu.memory_space<semaphore_mem>>) src(%dma_wait3A_46 : memref<100000x128xf32, #tpu.memory_space<hbm>>) dst(%dma_wait3A_40 : memref<80x128xf32, #tpu.memory_space<vmem>>)
      %mul3A_47 = arith.constant 80 : i32
      %mul3A_48 = arith.muli %mul3A_36, %mul3A_47 : i32
      %add3A_49 = arith.addi %mul3A_2, %mul3A_48 : i32
      %run_scoped3A = arith.constant 0 : i32
      "tpu.region"() ({
        %run_scoped3A_71 = tpu.sem_alloc : memref<!tpu.dma_semaphore, #tpu.memory_space<semaphore_mem>>
        %dma_start3A_72 = arith.constant 0 : i32
        %dma_start3A_73 = arith.constant 0 : i32
        %dma_start3A_74 = tpu.memref_slice %arg6[%run_scoped3A, %dma_start3A_72, %dma_start3A_73] : memref<2x80x128xf32, #tpu.memory_space<vmem>> -> memref<1x80x128xf32, #tpu.memory_space<vmem>>
        %dma_start3A_75 = tpu.memref_squeeze %dma_start3A_74 : memref<1x80x128xf32, #tpu.memory_space<vmem>> -> memref<80x128xf32, #tpu.memory_space<vmem>>
        %dma_start3A_76 = arith.constant 0 : i32
        %dma_start3A_77 = tpu.memref_slice %arg4[%add3A_49, %dma_start3A_76] : memref<51200x128xf32, #tpu.memory_space<hbm>> -> memref<80x128xf32, #tpu.memory_space<hbm>>
        %dma_start3A_78 = arith.constant 0 : i32
        %dma_start3A_79 = tpu.memref_slice %arg4[%add3A_49, %dma_start3A_78] : memref<51200x128xf32, #tpu.memory_space<hbm>> -> memref<80x128xf32, #tpu.memory_space<hbm>>
        %dma_start3A_80 = arith.constant 0 : i32
        %dma_start3A_81 = arith.constant 0 : i32
        %dma_start3A_82 = tpu.memref_slice %arg6[%run_scoped3A, %dma_start3A_80, %dma_start3A_81] : memref<2x80x128xf32, #tpu.memory_space<vmem>> -> memref<1x80x128xf32, #tpu.memory_space<vmem>>
        %dma_start3A_83 = tpu.memref_squeeze %dma_start3A_82 : memref<1x80x128xf32, #tpu.memory_space<vmem>> -> memref<80x128xf32, #tpu.memory_space<vmem>>
        tpu.enqueue_dma source(%dma_start3A_83 : memref<80x128xf32, #tpu.memory_space<vmem>>) target(%dma_start3A_79 : memref<80x128xf32, #tpu.memory_space<hbm>>) target_semaphore(%run_scoped3A_71 : memref<!tpu.dma_semaphore, #tpu.memory_space<semaphore_mem>>)
        %dma_wait3A_84 = arith.constant 0 : i32
        %dma_wait3A_85 = arith.constant 0 : i32
        %dma_wait3A_86 = tpu.memref_slice %arg6[%run_scoped3A, %dma_wait3A_84, %dma_wait3A_85] : memref<2x80x128xf32, #tpu.memory_space<vmem>> -> memref<1x80x128xf32, #tpu.memory_space<vmem>>
        %dma_wait3A_87 = tpu.memref_squeeze %dma_wait3A_86 : memref<1x80x128xf32, #tpu.memory_space<vmem>> -> memref<80x128xf32, #tpu.memory_space<vmem>>
        %dma_wait3A_88 = arith.constant 0 : i32
        %dma_wait3A_89 = tpu.memref_slice %arg4[%add3A_49, %dma_wait3A_88] : memref<51200x128xf32, #tpu.memory_space<hbm>> -> memref<80x128xf32, #tpu.memory_space<hbm>>
        %dma_wait3A_90 = arith.constant 0 : i32
        %dma_wait3A_91 = tpu.memref_slice %arg4[%add3A_49, %dma_wait3A_90] : memref<51200x128xf32, #tpu.memory_space<hbm>> -> memref<80x128xf32, #tpu.memory_space<hbm>>
        %dma_wait3A_92 = arith.constant 0 : i32
        %dma_wait3A_93 = arith.constant 0 : i32
        %dma_wait3A_94 = tpu.memref_slice %arg6[%run_scoped3A, %dma_wait3A_92, %dma_wait3A_93] : memref<2x80x128xf32, #tpu.memory_space<vmem>> -> memref<1x80x128xf32, #tpu.memory_space<vmem>>
        %dma_wait3A_95 = tpu.memref_squeeze %dma_wait3A_94 : memref<1x80x128xf32, #tpu.memory_space<vmem>> -> memref<80x128xf32, #tpu.memory_space<vmem>>
        tpu.wait_dma2 semaphore(%run_scoped3A_71 : memref<!tpu.dma_semaphore, #tpu.memory_space<semaphore_mem>>) src(%dma_wait3A_95 : memref<80x128xf32, #tpu.memory_space<vmem>>) dst(%dma_wait3A_91 : memref<80x128xf32, #tpu.memory_space<hbm>>)
        tpu.yield
      }) : () -> ()
      %lt3A = arith.constant 9 : i32
      %lt3A_50 = arith.cmpi slt, %scan3A_19, %lt3A : i32
      %convert_element_type3A = arith.extui %lt3A_50 : i1 to i32
      %cond3A = arith.constant 0 : i32
      %cond3A_51 = arith.cmpi ne, %convert_element_type3A, %cond3A : i32
      scf.if %cond3A_51 {
        %mul3A_71 = arith.constant 2 : i32
        %mul3A_72 = arith.muli %mul3A_71, %scan3A_19 : i32
        %add3A_73 = arith.constant 2 : i32
        %add3A_74 = arith.addi %mul3A_72, %add3A_73 : i32
        %dma_start3A_75 = arith.constant 0 : i32
        %dma_start3A_76 = arith.constant 0 : i32
        %dma_start3A_77 = arith.constant 0 : i32
        %dma_start3A_78 = tpu.memref_slice %arg6[%dma_start3A_75, %dma_start3A_76, %dma_start3A_77] : memref<2x80x128xf32, #tpu.memory_space<vmem>> -> memref<1x80x128xf32, #tpu.memory_space<vmem>>
        %dma_start3A_79 = tpu.memref_squeeze %dma_start3A_78 : memref<1x80x128xf32, #tpu.memory_space<vmem>> -> memref<80x128xf32, #tpu.memory_space<vmem>>
        %dma_start3A_80 = arith.constant 0 : i32
        %dma_start3A_81 = tpu.memref_slice %arg5[%add3A_74, %dma_start3A_80] : memref<20x80xi32, #tpu.memory_space<vmem>> -> memref<1x80xi32, #tpu.memory_space<vmem>>
        %dma_start3A_82 = tpu.memref_squeeze %dma_start3A_81 : memref<1x80xi32, #tpu.memory_space<vmem>> -> memref<80xi32, #tpu.memory_space<vmem>>
        %dma_start3A_83 = arith.constant 0 : i32
        %dma_start3A_84 = arith.constant 0 : i32
        %dma_start3A_85 = tpu.memref_slice %arg3[%dma_start3A_83, %dma_start3A_84] : memref<100000x128xf32, #tpu.memory_space<hbm>> -> memref<100000x128xf32, #tpu.memory_space<hbm>>
        tpu.enqueue_indirect_dma source(%dma_start3A_85 : memref<100000x128xf32, #tpu.memory_space<hbm>>) target(%dma_start3A_79 : memref<80x128xf32, #tpu.memory_space<vmem>>) offsets(%dma_start3A_82 : memref<80xi32, #tpu.memory_space<vmem>>) semaphore(%arg7 : memref<!tpu.dma_semaphore, #tpu.memory_space<semaphore_mem>>)
      } else {
      }
      %mul3A_52 = arith.constant 2 : i32
      %mul3A_53 = arith.muli %mul3A_52, %scan3A_19 : i32
      %add3A_54 = arith.constant 1 : i32
      %add3A_55 = arith.addi %mul3A_53, %add3A_54 : i32
      %dma_wait3A_56 = arith.constant 1 : i32
      %dma_wait3A_57 = arith.constant 0 : i32
      %dma_wait3A_58 = arith.constant 0 : i32
      %dma_wait3A_59 = tpu.memref_slice %arg6[%dma_wait3A_56, %dma_wait3A_57, %dma_wait3A_58] : memref<2x80x128xf32, #tpu.memory_space<vmem>> -> memref<1x80x128xf32, #tpu.memory_space<vmem>>
      %dma_wait3A_60 = tpu.memref_squeeze %dma_wait3A_59 : memref<1x80x128xf32, #tpu.memory_space<vmem>> -> memref<80x128xf32, #tpu.memory_space<vmem>>
      %dma_wait3A_61 = arith.constant 0 : i32
      %dma_wait3A_62 = tpu.memref_slice %arg5[%add3A_55, %dma_wait3A_61] : memref<20x80xi32, #tpu.memory_space<vmem>> -> memref<1x80xi32, #tpu.memory_space<vmem>>
      %dma_wait3A_63 = tpu.memref_squeeze %dma_wait3A_62 : memref<1x80xi32, #tpu.memory_space<vmem>> -> memref<80xi32, #tpu.memory_space<vmem>>
      %dma_wait3A_64 = arith.constant 0 : i32
      %dma_wait3A_65 = arith.constant 0 : i32
      %dma_wait3A_66 = tpu.memref_slice %arg3[%dma_wait3A_64, %dma_wait3A_65] : memref<100000x128xf32, #tpu.memory_space<hbm>> -> memref<100000x128xf32, #tpu.memory_space<hbm>>
      tpu.wait_indirect_dma semaphore(%arg8 : memref<!tpu.dma_semaphore, #tpu.memory_space<semaphore_mem>>) src(%dma_wait3A_66 : memref<100000x128xf32, #tpu.memory_space<hbm>>) dst(%dma_wait3A_60 : memref<80x128xf32, #tpu.memory_space<vmem>>)
      %mul3A_67 = arith.constant 80 : i32
      %mul3A_68 = arith.muli %add3A_55, %mul3A_67 : i32
      %add3A_69 = arith.addi %mul3A_2, %mul3A_68 : i32
      %run_scoped3A_70 = arith.constant 1 : i32
      "tpu.region"() ({
        %run_scoped3A_71 = tpu.sem_alloc : memref<!tpu.dma_semaphore, #tpu.memory_space<semaphore_mem>>
        %dma_start3A_72 = arith.constant 0 : i32
        %dma_start3A_73 = arith.constant 0 : i32
        %dma_start3A_74 = tpu.memref_slice %arg6[%run_scoped3A_70, %dma_start3A_72, %dma_start3A_73] : memref<2x80x128xf32, #tpu.memory_space<vmem>> -> memref<1x80x128xf32, #tpu.memory_space<vmem>>
        %dma_start3A_75 = tpu.memref_squeeze %dma_start3A_74 : memref<1x80x128xf32, #tpu.memory_space<vmem>> -> memref<80x128xf32, #tpu.memory_space<vmem>>
        %dma_start3A_76 = arith.constant 0 : i32
        %dma_start3A_77 = tpu.memref_slice %arg4[%add3A_69, %dma_start3A_76] : memref<51200x128xf32, #tpu.memory_space<hbm>> -> memref<80x128xf32, #tpu.memory_space<hbm>>
        %dma_start3A_78 = arith.constant 0 : i32
        %dma_start3A_79 = tpu.memref_slice %arg4[%add3A_69, %dma_start3A_78] : memref<51200x128xf32, #tpu.memory_space<hbm>> -> memref<80x128xf32, #tpu.memory_space<hbm>>
        %dma_start3A_80 = arith.constant 0 : i32
        %dma_start3A_81 = arith.constant 0 : i32
        %dma_start3A_82 = tpu.memref_slice %arg6[%run_scoped3A_70, %dma_start3A_80, %dma_start3A_81] : memref<2x80x128xf32, #tpu.memory_space<vmem>> -> memref<1x80x128xf32, #tpu.memory_space<vmem>>
        %dma_start3A_83 = tpu.memref_squeeze %dma_start3A_82 : memref<1x80x128xf32, #tpu.memory_space<vmem>> -> memref<80x128xf32, #tpu.memory_space<vmem>>
        tpu.enqueue_dma source(%dma_start3A_83 : memref<80x128xf32, #tpu.memory_space<vmem>>) target(%dma_start3A_79 : memref<80x128xf32, #tpu.memory_space<hbm>>) target_semaphore(%run_scoped3A_71 : memref<!tpu.dma_semaphore, #tpu.memory_space<semaphore_mem>>)
        %dma_wait3A_84 = arith.constant 0 : i32
        %dma_wait3A_85 = arith.constant 0 : i32
        %dma_wait3A_86 = tpu.memref_slice %arg6[%run_scoped3A_70, %dma_wait3A_84, %dma_wait3A_85] : memref<2x80x128xf32, #tpu.memory_space<vmem>> -> memref<1x80x128xf32, #tpu.memory_space<vmem>>
        %dma_wait3A_87 = tpu.memref_squeeze %dma_wait3A_86 : memref<1x80x128xf32, #tpu.memory_space<vmem>> -> memref<80x128xf32, #tpu.memory_space<vmem>>
        %dma_wait3A_88 = arith.constant 0 : i32
        %dma_wait3A_89 = tpu.memref_slice %arg4[%add3A_69, %dma_wait3A_88] : memref<51200x128xf32, #tpu.memory_space<hbm>> -> memref<80x128xf32, #tpu.memory_space<hbm>>
        %dma_wait3A_90 = arith.constant 0 : i32
        %dma_wait3A_91 = tpu.memref_slice %arg4[%add3A_69, %dma_wait3A_90] : memref<51200x128xf32, #tpu.memory_space<hbm>> -> memref<80x128xf32, #tpu.memory_space<hbm>>
        %dma_wait3A_92 = arith.constant 0 : i32
        %dma_wait3A_93 = arith.constant 0 : i32
        %dma_wait3A_94 = tpu.memref_slice %arg6[%run_scoped3A_70, %dma_wait3A_92, %dma_wait3A_93] : memref<2x80x128xf32, #tpu.memory_space<vmem>> -> memref<1x80x128xf32, #tpu.memory_space<vmem>>
        %dma_wait3A_95 = tpu.memref_squeeze %dma_wait3A_94 : memref<1x80x128xf32, #tpu.memory_space<vmem>> -> memref<80x128xf32, #tpu.memory_space<vmem>>
        tpu.wait_dma2 semaphore(%run_scoped3A_71 : memref<!tpu.dma_semaphore, #tpu.memory_space<semaphore_mem>>) src(%dma_wait3A_95 : memref<80x128xf32, #tpu.memory_space<vmem>>) dst(%dma_wait3A_91 : memref<80x128xf32, #tpu.memory_space<hbm>>)
        tpu.yield
      }) : () -> ()
    }
    %scan3A_18 = arith.constant 10 : i32
    return
  }
}

module attributes {stable_mosaic.version = 14 : i64} {
  func.func @_dense_body(%arg0: i32, %arg1: memref<3200x128xf32, #tpu.memory_space<vmem>>, %arg2: memref<16x3200xf32, #tpu.memory_space<vmem>>, %arg3: memref<128x512xf32, #tpu.memory_space<vmem>>, %arg4: memref<512x512xf32, #tpu.memory_space<vmem>>, %arg5: memref<512x4xf32, #tpu.memory_space<vmem>>, %arg6: memref<16x4xf32, #tpu.memory_space<vmem>>) attributes {dimension_semantics = [#tpu.dimension_semantics<arbitrary>], iteration_bounds = array<i64: 16>, scalar_prefetch = 0 : i64, scratch_operands = 0 : i64, tpu.core_type = #tpu.core_type<tc>, window_params = [{transform_indices = @transform_0, window_bounds = array<i64: 3200, 128>}, {pipeline_mode = #tpu.pipeline_mode<synchronous>, transform_indices = @transform_1, window_bounds = array<i64: 16, 3200>}, {pipeline_mode = #tpu.pipeline_mode<synchronous>, transform_indices = @transform_2, window_bounds = array<i64: 128, 512>}, {pipeline_mode = #tpu.pipeline_mode<synchronous>, transform_indices = @transform_3, window_bounds = array<i64: 512, 512>}, {pipeline_mode = #tpu.pipeline_mode<synchronous>, transform_indices = @transform_4, window_bounds = array<i64: 512, 4>}, {transform_indices = @transform_5, window_bounds = array<i64: 16, 4>}]} {
    %get3A = arith.constant 0 : index
    %get3A_0 = arith.constant 0 : index
    %get3A_1 = vector.load %arg1[%get3A, %get3A_0] : memref<3200x128xf32, #tpu.memory_space<vmem>>, vector<3200x128xf32>
    %convert_element_type3A = arith.truncf %get3A_1 : vector<3200x128xf32> to vector<3200x128xbf16>
    %get3A_2 = arith.constant 0 : index
    %get3A_3 = arith.constant 0 : index
    %get3A_4 = vector.load %arg3[%get3A_2, %get3A_3] : memref<128x512xf32, #tpu.memory_space<vmem>>, vector<128x512xf32>
    %convert_element_type3A_5 = arith.truncf %get3A_4 : vector<128x512xf32> to vector<128x512xbf16>
    %dot_general3A = arith.constant dense<0.000000e+00> : vector<3200x512xf32>
    %dot_general3A_6 = tpu.matmul %convert_element_type3A, %convert_element_type3A_5, %dot_general3A {dimension_numbers = #tpu.dot_dimension_numbers<[1], [0], [0], [1], [0, 0, 1, 1], [], []>, transpose_lhs_hint = false} : vector<3200x128xbf16>, vector<128x512xbf16>, vector<3200x512xf32> -> vector<3200x512xf32>
    %tanh3A = math.tanh %dot_general3A_6 : vector<3200x512xf32>
    %add3A = arith.constant 1.000000e+00 : f32
    %add3A_7 = vector.broadcast %add3A : f32 to vector<3200x512xf32>
    %add3A_8 = arith.addf %tanh3A, %add3A_7 : vector<3200x512xf32>
    %mul3A = arith.mulf %dot_general3A_6, %add3A_8 : vector<3200x512xf32>
    %convert_element_type3A_9 = arith.truncf %mul3A : vector<3200x512xf32> to vector<3200x512xbf16>
    %get3A_10 = arith.constant 0 : index
    %get3A_11 = arith.constant 0 : index
    %get3A_12 = vector.load %arg4[%get3A_10, %get3A_11] : memref<512x512xf32, #tpu.memory_space<vmem>>, vector<512x512xf32>
    %convert_element_type3A_13 = arith.truncf %get3A_12 : vector<512x512xf32> to vector<512x512xbf16>
    %dot_general3A_14 = arith.constant dense<0.000000e+00> : vector<3200x512xf32>
    %dot_general3A_15 = tpu.matmul %convert_element_type3A_9, %convert_element_type3A_13, %dot_general3A_14 {dimension_numbers = #tpu.dot_dimension_numbers<[1], [0], [0], [1], [0, 0, 1, 1], [], []>, transpose_lhs_hint = false} : vector<3200x512xbf16>, vector<512x512xbf16>, vector<3200x512xf32> -> vector<3200x512xf32>
    %tanh3A_16 = math.tanh %dot_general3A_15 : vector<3200x512xf32>
    %add3A_17 = arith.constant 1.000000e+00 : f32
    %add3A_18 = vector.broadcast %add3A_17 : f32 to vector<3200x512xf32>
    %add3A_19 = arith.addf %tanh3A_16, %add3A_18 : vector<3200x512xf32>
    %mul3A_20 = arith.mulf %dot_general3A_15, %add3A_19 : vector<3200x512xf32>
    %get3A_21 = arith.constant 0 : index
    %get3A_22 = arith.constant 0 : index
    %get3A_23 = vector.load %arg2[%get3A_21, %get3A_22] : memref<16x3200xf32, #tpu.memory_space<vmem>>, vector<16x3200xf32>
    %dot_general3A_24 = arith.constant dense<0.000000e+00> : vector<16x512xf32>
    %dot_general3A_25 = tpu.matmul %get3A_23, %mul3A_20, %dot_general3A_24 {dimension_numbers = #tpu.dot_dimension_numbers<[1], [0], [0], [1], [0, 0, 1, 1], [], []>, transpose_lhs_hint = false} : vector<16x3200xf32>, vector<3200x512xf32>, vector<16x512xf32> -> vector<16x512xf32>
    %get3A_26 = arith.constant 0 : index
    %get3A_27 = arith.constant 0 : index
    %get3A_28 = vector.load %arg5[%get3A_26, %get3A_27] : memref<512x4xf32, #tpu.memory_space<vmem>>, vector<512x4xf32>
    %dot_general3A_29 = arith.constant dense<0.000000e+00> : vector<16x4xf32>
    %dot_general3A_30 = tpu.matmul %dot_general3A_25, %get3A_28, %dot_general3A_29 {dimension_numbers = #tpu.dot_dimension_numbers<[1], [0], [0], [1], [0, 0, 1, 1], [], []>, transpose_lhs_hint = false} : vector<16x512xf32>, vector<512x4xf32>, vector<16x4xf32> -> vector<16x4xf32>
    %swap3A = arith.constant 0 : index
    %swap3A_31 = arith.constant 0 : index
    %swap3A_32 = vector.load %arg6[%swap3A, %swap3A_31] : memref<16x4xf32, #tpu.memory_space<vmem>>, vector<16x4xf32>
    tpu.vector_store %arg6[%swap3A, %swap3A_31], %dot_general3A_30 {strides = array<i32>} : memref<16x4xf32, #tpu.memory_space<vmem>>, vector<16x4xf32>,
    return
  }
  func.func @transform_0(%arg0: i32) -> (i32, i32) {
    %c0_i32 = arith.constant 0 : i32
    %c0_i32_0 = arith.constant 0 : i32
    return %arg0, %c0_i32 : i32, i32
  }
  func.func @transform_1(%arg0: i32) -> (i32, i32) {
    %c0_i32 = arith.constant 0 : i32
    %c0_i32_0 = arith.constant 0 : i32
    %c0_i32_1 = arith.constant 0 : i32
    return %c0_i32, %c0_i32_0 : i32, i32
  }
  func.func @transform_2(%arg0: i32) -> (i32, i32) {
    %c0_i32 = arith.constant 0 : i32
    %c0_i32_0 = arith.constant 0 : i32
    %c0_i32_1 = arith.constant 0 : i32
    return %c0_i32, %c0_i32_0 : i32, i32
  }
  func.func @transform_3(%arg0: i32) -> (i32, i32) {
    %c0_i32 = arith.constant 0 : i32
    %c0_i32_0 = arith.constant 0 : i32
    %c0_i32_1 = arith.constant 0 : i32
    return %c0_i32, %c0_i32_0 : i32, i32
  }
  func.func @transform_4(%arg0: i32) -> (i32, i32) {
    %c0_i32 = arith.constant 0 : i32
    %c0_i32_0 = arith.constant 0 : i32
    %c0_i32_1 = arith.constant 0 : i32
    return %c0_i32, %c0_i32_0 : i32, i32
  }
  func.func @transform_5(%arg0: i32) -> (i32, i32) {
    %c0_i32 = arith.constant 0 : i32
    %c0_i32_0 = arith.constant 0 : i32
    return %arg0, %c0_i32 : i32, i32
  }
}

</mosaic_0001>

<sc_bundles>
// kernel: kernel.10.cloned.1.call-start
scs
__scs_entry_jumppad:
0x0: {  	(pc) =	sbr.rel $0x88, $3  }
0x1: {  	(tag) =	ssettag $0x0;
	lr =	simm.s32 $0x1  }
0x2: {  	[smem:$0x3F9C] =	sst lr;
	_ =	strace $0xD0000000  }
0x3: {  	_ = 	snop  }
0x4: {  	_ = 	snop  }
0x5: {  	_ = 	snop  }
0x6: {  	_ = 	snop  }
0x7: {  	_ = 	snop  }
__scs_overlays_trampoline_lowered:
0x8: {  	[smem:$0x3FAB] =	sst s0  }
0x9: {  	[smem:$0x3FAC] =	sst s1  }
0xa: {  	[smem:$0x3FAD] =	sst s2  }
0xb: {  	[smem:$0x3FAE] =	sst s3  }
0xc: {  	[smem:$0x3FAF] =	sst s4  }
0xd: {  	[smem:$0x3FB0] =	sst s5  }
0xe: {  	[smem:$0x3FB1] =	sst s6  }
0xf: {  	[smem:$0x3FB2] =	sst s7  }
0x10: {  	[smem:$0x3FB3] =	sst s8  }
0x11: {  	[smem:$0x3FB4] =	sst s9;
	s0 =	simm.s32 @!p0 $0x0  }
0x12: {  	s1 =	sld [smem:$0x3F9A];
	s0 =	simm.s32 @p0 $0x1  }
0x13: {  	[smem:$0x3FB5] =	sst s0;
	s0 =	simm.s32 @!p1 $0x0  }
0x14: {  	s2 =	sld [smem:$0x3F99];
	s0 =	simm.s32 @p1 $0x1  }
0x15: {  	[smem:$0x3FB6] =	sst s0;
	s0 =	simm.s32 @!p2 $0x0  }
0x16: {  	s3 =	sld [smem:$0x3FDB];
	s0 =	simm.s32 @p2 $0x1  }
0x17: {  	s4 =	simm.s32 $0x1BF5;
	[smem:$0x3FB8] =	sst s0  }
0x18: {  	s0 =	sld [smem:$0x3F9B];
	_ =	swait.ge [sflag:s4], $0x0  }
0x19: {  	s7 =	sld [smem:$0x3F9C]  }
0x1a: {  	s8 =	sadd.s32 $0xFFFFE003, lr  }
0x1b: {  	s9 =	sadd.s32 $0xFFFFFEF7, lr;
	s5 =	simm.s32 $0xFFFFFFFF;
	p2 =	slt.u32 s8, $0xFFFFF086  }
0x1c: {  	p1 =	slt.u32 s9, $0xF7A;
	s5 =	simm.s32 @!p2 $0x0  }
0x1d: {  	s5 =	simm.s32 @p1 $0x1;
	p0 =	seq.s32 s7, s2  }
0x1e: {  	s7 =	smul.u32 @!p0 $0xF7A, s2;
	p2 =	seq.s32 @!p0 s5, $0x0  }
0x1f: {  	s9 =	smul.u32 $0xF7A, s1;
	s8 =	simm.s32 @!p0 $0x1BF5;
	p2 =	por !p2, p0  }
0x20: {  	[sflag:s8] =	ssyncset.s32 @!p0 $0xFFFFF086;
	s6 =	sadd.s32 @!p0 s3, s7;
	s7 =	simm.s32 @!p0 $0x108  }
0x21: {  	s3 =	sadd.s32 s3, s9;
	s6 =	sadd.s32 @!p0 $0x88, s6;
	s7 =	simm.s32 @p2 $0x1082  }
0x22: {  	[simem:s7], [sflag:s8] =	dma.local @!p0 [hbm:s6], $0xF7A  }
0x23: {  	s9 =	sor.u32 $0xD0000000, s2;
	s6 =	simm.s32 $0x108;
	_ =	swait.ge @!p0 [sflag:s8], $0x0  }
0x24: {  	s3 =	sadd.s32 $0x88, s3;
	s6 =	simm.s32 @!p1 $0x1082;
	[sflag:s4] =	ssyncset.s32 $0xFFFFF086  }
0x25: {  	[simem:s6], [sflag:s4] =	dma.local [hbm:s3], $0xF7A  }
0x26: {  	[smem:$0x3F9C] =	sst s1;
	(tag) =	ssettag s2;
	_ =	strace s9  }
0x27: {  	s1 =	sld [smem:$0x3FAC]  }
0x28: {  	s2 =	sld [smem:$0x3FAD]  }
0x29: {  	s4 =	sld [smem:$0x3FAF]  }
0x2a: {  	p0 =	seq.s32 s5, $0x0;
	s5 =	sld [smem:$0x3FB0]  }
0x2b: {  	s6 =	sld [smem:$0x3FB1]  }
0x2c: {  	s7 =	sld [smem:$0x3FB2]  }
0x2d: {  	s3 =	simm.s32 $0x108;
	s8 =	sld [smem:$0x3FB3]  }
0x2e: {  	s3 =	simm.s32 @!p0 $0x1082;
	s9 =	sld [smem:$0x3FB4]  }
0x2f: {  	lr =	sadd.s32 s0, s3;
	s0 =	sld [smem:$0x3FAB]  }
0x30: {  	s3 =	sld [smem:$0x3FAE]  }
0x31: {  	[smem:$0x3FB7] =	sst s10  }
0x32: {  	s10 =	sld [smem:$0x3FB5];
	_ =	sdelay $0x3  }
0x33: {  	p0 =	seq.s32 s10, $0x1;
	s10 =	sld [smem:$0x3FB7];
	_ =	sdelay $0x3  }
0x34: {  	[smem:$0x3FB7] =	sst s10  }
0x35: {  	s10 =	sld [smem:$0x3FB6];
	_ =	sdelay $0x3  }
0x36: {  	p1 =	seq.s32 s10, $0x1;
	s10 =	sld [smem:$0x3FB7];
	_ =	sdelay $0x3  }
0x37: {  	[smem:$0x3FB7] =	sst s10  }
0x38: {  	s10 =	sld [smem:$0x3FB8]  }
0x39: {  	_ = 	snop;
	(pc) =	sbr.ind lr, $3  }
0x3a: {  	_ = 	snop  }
0x3b: {  	_ = 	snop  }
0x3c: {  	p2 =	seq.s32 s10, $0x1;
	s10 =	sld [smem:$0x3FB7]  }
0x3d: {  	_ =	shalt  }
0x3e: {  	_ =	shalt  }
0x3f: {  	_ =	shalt  }
0x40: {  	_ =	shalt  }
0x41: {  	_ =	shalt  }
0x42: {  	_ =	shalt  }
0x43: {  	_ =	shalt  }
0x44: {  	_ =	shalt  }
0x45: {  	_ =	shalt  }
0x46: {  	_ =	shalt  }
0x47: {  	_ =	shalt  }
0x48: {  	_ =	shalt  }
0x49: {  	_ =	shalt  }
0x4a: {  	_ =	shalt  }
0x4b: {  	_ =	shalt  }
0x4c: {  	_ =	shalt  }
0x4d: {  	_ =	shalt  }
0x4e: {  	_ =	shalt  }
0x4f: {  	_ =	shalt  }
0x50: {  	_ =	shalt  }
0x51: {  	_ =	shalt  }
0x52: {  	_ =	shalt  }
0x53: {  	_ =	shalt  }
0x54: {  	_ =	shalt  }
0x55: {  	_ =	shalt  }
0x56: {  	_ =	shalt  }
0x57: {  	_ =	shalt  }
0x58: {  	_ =	shalt  }
0x59: {  	_ =	shalt  }
0x5a: {  	_ =	shalt  }
0x5b: {  	_ =	shalt  }
0x5c: {  	_ =	shalt  }
0x5d: {  	_ =	shalt  }
0x5e: {  	_ =	shalt  }
0x5f: {  	_ =	shalt  }
0x60: {  	_ =	shalt  }
0x61: {  	_ =	shalt  }
0x62: {  	_ =	shalt  }
0x63: {  	_ =	shalt  }
0x64: {  	_ =	shalt  }
0x65: {  	_ =	shalt  }
0x66: {  	_ =	shalt  }
0x67: {  	_ =	shalt  }
0x68: {  	_ =	shalt  }
0x69: {  	_ =	shalt  }
0x6a: {  	_ =	shalt  }
0x6b: {  	_ =	shalt  }
0x6c: {  	_ =	shalt  }
0x6d: {  	_ =	shalt  }
0x6e: {  	_ =	shalt  }
0x6f: {  	_ =	shalt  }
0x70: {  	_ =	shalt  }
0x71: {  	_ =	shalt  }
0x72: {  	_ =	shalt  }
0x73: {  	_ =	shalt  }
0x74: {  	_ =	shalt  }
0x75: {  	_ =	shalt  }
0x76: {  	_ =	shalt  }
0x77: {  	_ =	shalt  }
0x78: {  	_ =	shalt  }
0x79: {  	_ =	shalt  }
0x7a: {  	_ =	shalt  }
0x7b: {  	_ =	shalt  }
0x7c: {  	_ =	shalt  }
0x7d: {  	_ =	shalt  }
0x7e: {  	_ =	shalt  }
0x7f: {  	_ =	shalt  }
0x80: {  	_ =	shalt  }
0x81: {  	_ =	shalt  }
0x82: {  	_ =	shalt  }
0x83: {  	_ =	shalt  }
0x84: {  	_ =	shalt  }
0x85: {  	_ =	shalt  }
0x86: {  	_ =	shalt  }
0x87: {  	_ =	shalt  }
.Lfunc_end0:
.L_simem_size_0:
called_computation_lowered:
.L_overlay_start_0:
0x88: {  	s2 =	sld [smem:$0x3FD9]  }
0x89: {  	s3 =	sld [smem:$0x3FFE];
	_ =	sdelay $0x1  }
0x8a: {  	s1 =	srdreg.scid  }
0x8b: {  	s0 =	sand.u32 $0x1, s1  }
0x8c: {  	s17 =	sshll.u32 s0, $0xA;
	s2 =	sadd.s32 s3, s2  }
0x8d: {  	s2 =	sadd.s32 s2, s17  }
0x8e: {  	[smem:$0x3FC3] =	sst s2  }
0x8f: {  	_ = 	snop  }
0x90: {  	s18 =	sld [smem:$0x3FC8];
	(tm) =	ssettm $0x1  }
0x91: {  	s19 =	sld [smem:$0x3FFB];
	_ =	sdelay $0x3  }
0x92: {  	_ =	strace s19  }
0x93: {  	s2 =	sld [smem:$0x3FFC];
	_ =	sdelay $0x3  }
0x94: {  	_ =	strace s2  }
0x95: {  	s2 =	sld [smem:$0x3FFD];
	_ =	sdelay $0x3  }
0x96: {  	_ =	strace s2  }
0x97: {  	_ =	strace $0x8FFFFFFF  }
0x98: {  	s20 =	sld [smem:$0x3FDB];
	_ =	sdelay $0x1  }
0x99: {  	s4 =	simm.s32 $_scs_section_size  }
0x9a: {  	s5 =	simm.s32 $_size__tile_overlayer_lowered;
	s6 =	simm.s32 $_tile_overlayer_lowered  }
0x9b: {  	s7 =	simm.s32 $0x1BFF;
	s21 =	sshll.u32 s6, $0x1;
	s4 =	sadd.s32 s4, s20  }
0x9c: {  	s22 =	simm.s32 $0x0;
	s5 =	sshll.u32 s5, $0x1;
	s6 =	sadd.s32 s21, s4  }
0x9d: {  	[timem:s22], [sflag:s7] =	dma.local [hbm:s6], s5  }
0x9e: {  	_ =	swait.ge [sflag:s7], s5  }
0x9f: {  	s5 =	ssub.s32 $0x0, s5;
	[sflag:s7] =	ssyncset.done $0x0  }
0xa0: {  	[sflag:s7] =	ssyncadd.s32 s5;
	_ =	sdelay $0x1  }
0xa1: {  	s23 =	simm.s32 $0x1B8B  }
0xa2: {  	_ =	swait.ge [sflag:s23], $0x1  }
0xa3: {  	[sflag:s23] =	ssyncset.done $0x0  }
0xa4: {  	[sflag:s23] =	ssyncadd.s32 $0xFFFFFFFF  }
0xa5: {  	s5 =	sld [smem:$0x0]  }
0xa6: {  	s6 =	sand.u32 $0xFFFFFFFE, s1  }
0xa7: {  	p0 =	sne.s32 s1, s6  }
0xa8: {  	s6 =	sshll.u32 @p0 s6, $0xE  }
0xa9: {  	s6 =	sadd.s32 @p0 $0x11B8D, s6;
	s7 =	sshll.u32 @p0 s5, $0x11  }
0xaa: {  	s6 =	sor.u32 @p0 s7, s6  }
0xab: {  	[sflag:s6] =	ssyncadd.remote.s32 @p0 $0x1;
	_ =	sdelay $0x1  }
0xac: {  	s6 =	simm.s32 @p0 $0x1B8D  }
0xad: {  	_ =	swait.eq @p0 [sflag:s6], $0x1  }
0xae: {  	[sflag:s6] =	ssyncadd.s32 @p0 $0xFFFFFFFF  }
0xaf: {  	s7 =	sshll.u32 @!p0 s1, $0xE  }
0xb0: {  	s7 =	sor.u32 @!p0 $0x4000, s7;
	s6 =	simm.s32 @!p0 $0x1B8D  }
0xb1: {  	s5 =	sshll.u32 @!p0 s5, $0x11;
	s7 =	sadd.s32 @!p0 $0x11B8D, s7;
	_ =	swait.eq @!p0 [sflag:s6], $0x1  }
0xb2: {  	s5 =	sor.u32 @!p0 s5, s7;
	[sflag:s6] =	ssyncadd.s32 @!p0 $0xFFFFFFFF  }
0xb3: {  	s25 =	simm.s32 $0x1B8E;
	s24 =	sld [smem:$0x3FFE];
	[sflag:s5] =	ssyncadd.remote.s32 @!p0 $0x1  }
0xb4: {  	s26 =	simm.s32 $execute0_lowered;
	[smem:$0x3FD2] =	sst s25  }
0xb5: {  	s6 =	sshll.u32 s26, $0x1;
	_ =	strace $0x8000004F;
	[dreg:$0x1] =	wrdreg $0xFFFFFFFF  }
0xb6: {  	s28 =	simm.s32 $_size_execute0_lowered;
	s4 =	sadd.s32 s4, s6;
	[dreg:$0x0] =	wrdreg $0x0  }
0xb7: {  	s6 =	sshll.u32 s28, $0x1;
	[dreg:$0x2] =	wrdreg s4  }
0xb8: {  	[dreg:$0x3] =	wrdreg s6  }
0xb9: {  	[dreg:$0x4] =	wrdreg $0xC0  }
0xba: {  	_ =	task [dreg:s22], $0x5FFFF  }
0xbb: {  	[dreg:$0x1] =	wrdreg $0xFFFFFFFF  }
0xbc: {  	[dreg:$0x0] =	wrdreg $0x60  }
0xbd: {  	[dreg:$0x2] =	wrdreg s24  }
0xbe: {  	[dreg:$0x3] =	wrdreg s18  }
0xbf: {  	[dreg:$0x4] =	wrdreg $0x9  }
0xc0: {  	_ =	task.clear_ibuf [dreg:s22], $0x5FFFF;
	_ =	strace $0x9000004F  }
0xc1: {  	s29 =	simm.s32 $0x9;
	_ =	strace $0x80000051  }
0xc2: {  	_ =	swait.ge [sflag:s29], $0x1  }
0xc3: {  	[sflag:s29] =	ssyncadd.s32 $0xFFFFFFFF  }
0xc4: {  	_ =	strace $0x90000051  }
0xc5: {  	_ =	sfence  }
0xc6: {  	s30 =	sld [smem:$0x0];
	_ =	sdelay $0x2  }
0xc7: {  	s31 =	sshll.u32 s1, $0xD;
	s1 =	sshrl.u32 s1, $0x2  }
0xc8: {  	s4 =	sand.u32 $0x4000, s31;
	s1 =	sadd.s32 s1, s30  }
0xc9: {  	s0 =	sor.u32 s4, s0;
	s1 =	sshll.u32 s1, $0x11  }
0xca: {  	s0 =	sor.u32 s1, s0  }
0xcb: {  	s0 =	sadd.s32 $0x8F2B, s0  }
0xcc: {  	[sflag:s0] =	ssyncadd.remote.s32 $0x1  }
0xcd: {  	_ =	sfence.sel $0xFFFF  }
0xce: {  	[dreg:$0x0] =	wrdreg $0xFFFFFFFF;
	(pc) =	sbr.abs _section_cstart, $3  }
0xcf: {  	[dreg:$0x1] =	wrdreg $0xFFFFFFFF  }
0xd0: {  	_ =	task.clear_ibuf [dreg:s22], $0x2FFFF;
	_ =	strace $0x9FFFFFFF  }
0xd1: {  	(tm) =	ssettm $0x7FFFFFFF  }
tec
execute0_lowered:
.L_overlay_start_1:
0x0: {  	(tag) =	ssettag $0x1  }
0x1: {  	s1 =	srdreg.scid;
	s4 =	rddreg [dreg:$0x0]  }
0x2: {  	s0 =	stileid.u32;
	s2 =	rddreg [dreg:$0x1];
	s3 =	simm.s32 $0x0  }
0x3: {  	s11 =	simm.s32 $0xC00;
	s12 =	simm.s32 $0x3400;
	s13 =	simm.s32 $0x1  }
0x4: {  	s14 =	simm.s32 $0x2;
	s15 =	simm.s32 $0x980;
	s16 =	simm.s32 $0x0  }
0x5: {  	s6 =	sand.u32 $0x1, s1;
	s25 =	sshll.u32 s0, $0x1;
	s1 =	rddreg [dreg:$0x2]  }
0x6: {  	[smem:$0x7FF] =	sst s3;
	s29 =	smul.u32 $0xC800, s0;
	s5 =	sor.u32 s6, s25  }
0x7: {  	s9 =	sadd.s32 $0x265E00, s4;
	s8 =	ssub.s32 $0x2, s6;
	s7 =	smul.u32 $0x180, s5  }
0x8: {  	_ =	strace $0x80000050;
	s26 =	sshrl.u32 s8, $0x1;
	s10 =	smul.u32 $0x6400, s5  }
0x9: {  	s31 =	smul.u32 $0x6400, s6;
	s28 =	ssub.s32 s8, s26;
	s8 =	sadd.s32 s29, s9  }
0xa: {  	s7 =	sadd.s32 s7, s4;
	s5 =	smax.u32 s28, $0x1;
	s30 =	sadd.s32 s9, s10  }
0xb: {  	s8 =	sadd.s32 s31, s8;
	s9 =	simm.s32 $0x3;
	s10 =	simm.s32 $0x50  }
0xc: {  	s4 =	sadd.s32 $0x262E00, s7;
	s6 =	sadd.s32 $0x5A00, s30;
	s7 =	sadd.s32 $0x5F00, s30  }
.LBB2_1:
0xd: {  	[tilespmem:s3], [sflag:$0x3] =	stream.linear.gather [hbm4b:s4+s3], $0xA00, $0x38;
	[tilespmem:$0x5C00] =	vst v63  }
0xe: {  	_ =	swait.ge [sflag:s9], $0xA00  }
0xf: {  	[sflag:s9] =	ssyncset.done $0x0  }
0x10: {  	[sflag:s9] =	ssyncadd.s32 $0xFFFFF600  }
0x11: {  	[tilespmem:s11], [sflag:$0x1] =	stream.indirect.gather [hbm4b:s2+s10], $0x80, s3, s10, $0xb8;
	[tilespmem:$0x5C00] =	vst v63  }
0x12: {  	s17 =	simm.s32 $0x80  }
0x13: {  	[tilespmem:s12], [sflag:$0x2] =	stream.indirect.gather [hbm4b:s2+s10], $0x80, s17, s10, $0xb8;
	[tilespmem:$0x5C00] =	vst v63  }
0x14: {  	_ =	swait.ge [sflag:s13], $0x2800  }
0x15: {  	[sflag:s13] =	ssyncset.done $0x0  }
0x16: {  	s18 =	sadd.s32 $0x0, s8;
	[sflag:s13] =	ssyncadd.s32 $0xFFFFD800  }
0x17: {  	[hbm4b:s18+s3] =	stream.linear.scatter [tilespmem:s11], [sflag:$0x3], $0x2800, $0x38;
	[tilespmem:$0x5C00] =	vst v63  }
0x18: {  	_ =	swait.ge [sflag:s9], $0x2800  }
0x19: {  	[sflag:s9] =	ssyncset.done $0x0  }
0x1a: {  	s19 =	simm.s32 $0x100;
	[sflag:s9] =	ssyncadd.s32 $0xFFFFD800  }
0x1b: {  	[tilespmem:s11], [sflag:$0x1] =	stream.indirect.gather [hbm4b:s2+s10], $0x80, s19, s10, $0xb8;
	[tilespmem:$0x5C00] =	vst v63  }
0x1c: {  	_ =	swait.ge [sflag:s14], $0x2800  }
0x1d: {  	[sflag:s14] =	ssyncset.done $0x0  }
0x1e: {  	s18 =	sadd.s32 $0x500, s18;
	[sflag:s14] =	ssyncadd.s32 $0xFFFFD800  }
0x1f: {  	[hbm4b:s18+s3] =	stream.linear.scatter [tilespmem:s12], [sflag:$0x3], $0x2800, $0x38;
	[tilespmem:$0x5C00] =	vst v63  }
0x20: {  	_ =	swait.ge [sflag:s9], $0x2800  }
0x21: {  	s18 =	simm.s32 $0xA00;
	[sflag:s9] =	ssyncset.done $0x0  }
.LBB2_2:
0x22: {  	p0 =	sne.s32 s18, $0x5000;
	[sflag:s9] =	ssyncadd.s32 $0xFFFFD800;
	s17 =	sadd.s32 $0x100, s17  }
0x23: {  	[tilespmem:s12], [sflag:$0x2] =	stream.indirect.gather [hbm4b:s2+s10], $0x80, s17, s10, $0xb8;
	[tilespmem:$0x5C00] =	vst v63  }
0x24: {  	s19 =	smov.u32 s18;
	s18 =	sadd.s32 $0xA00, s18;
	_ =	swait.ge [sflag:s13], $0x2800  }
0x25: {  	[sflag:s13] =	ssyncset.done $0x0  }
0x26: {  	s19 =	sadd.s32 s19, s8;
	[sflag:s13] =	ssyncadd.s32 $0xFFFFD800  }
0x27: {  	[hbm4b:s19+s3] =	stream.linear.scatter [tilespmem:s11], [sflag:$0x3], $0x2800, $0x38;
	[tilespmem:$0x5C00] =	vst v63  }
0x28: {  	_ =	swait.ge [sflag:s9], $0x2800  }
0x29: {  	[sflag:s9] =	ssyncset.done $0x0  }
0x2a: {  	s20 =	sadd.s32 $0x80, s17;
	[sflag:s9] =	ssyncadd.s32 $0xFFFFD800  }
0x2b: {  	[tilespmem:s11], [sflag:$0x1] =	stream.indirect.gather [hbm4b:s2+s10], $0x80, s20, s10, $0xb8;
	[tilespmem:$0x5C00] =	vst v63  }
0x2c: {  	_ =	swait.ge [sflag:s14], $0x2800  }
.Ltmp0:
0x2d: {  	[sflag:s14] =	ssyncset.done $0x0;
	(pc) =	sbr.rel @p0 .LBB2_2-.Ltmp0, $4  }
0x2e: {  	s19 =	sadd.s32 $0x500, s19;
	[sflag:s14] =	ssyncadd.s32 $0xFFFFD800  }
0x2f: {  	[hbm4b:s19+s3] =	stream.linear.scatter [tilespmem:s12], [sflag:$0x3], $0x2800, $0x38;
	[tilespmem:$0x5C00] =	vst v63  }
0x30: {  	_ =	swait.ge [sflag:s9], $0x2800  }
0x31: {  	[sflag:s9] =	ssyncset.done $0x0  }
0x32: {  	[sflag:s9] =	ssyncadd.s32 $0xFFFFD800  }
0x33: {  	[tilespmem:s12], [sflag:$0x2] =	stream.indirect.gather [hbm4b:s2+s10], $0x80, s15, s10, $0xb8;
	[tilespmem:$0x5C00] =	vst v63  }
0x34: {  	_ =	swait.ge [sflag:s13], $0x2800  }
0x35: {  	[sflag:s13] =	ssyncset.done $0x0  }
0x36: {  	[sflag:s13] =	ssyncadd.s32 $0xFFFFD800  }
0x37: {  	[hbm4b:s6+s3] =	stream.linear.scatter [tilespmem:s11], [sflag:$0x3], $0x2800, $0x38;
	[tilespmem:$0x5C00] =	vst v63  }
0x38: {  	_ =	swait.ge [sflag:s9], $0x2800  }
0x39: {  	[sflag:s9] =	ssyncset.done $0x0  }
0x3a: {  	[sflag:s9] =	ssyncadd.s32 $0xFFFFD800  }
0x3b: {  	s16 =	sadd.s32 $0x1, s16;
	_ =	swait.ge [sflag:s14], $0x2800  }
0x3c: {  	p0 =	sne.s32 s16, s5;
	[sflag:s14] =	ssyncset.done $0x0  }
.Ltmp1:
0x3d: {  	[sflag:s14] =	ssyncadd.s32 $0xFFFFD800;
	(pc) =	sbr.rel @p0 .LBB2_1-.Ltmp1, $4  }
0x3e: {  	[hbm4b:s7+s3] =	stream.linear.scatter [tilespmem:s12], [sflag:$0x3], $0x2800, $0x38;
	[tilespmem:$0x5C00] =	vst v63  }
0x3f: {  	_ =	swait.ge [sflag:s9], $0x2800  }
0x40: {  	[sflag:s9] =	ssyncset.done $0x0  }
0x41: {  	[sflag:s9] =	ssyncadd.s32 $0xFFFFD800  }
0x42: {  	_ =	sfence.sel $0x180000  }
0x43: {  	[bflag:$0x0] =	sbarrier.arrive $0xFFFF  }
0x44: {  	p0 =	sne.s32 s0, $0x0;
	_ =	strace $0x90000050  }
0x45: {  	s0 =	sadd.s32 @!p0 $0x100000, s1;
	[bflag:$0x2] =	sbarrier.arrive $0xFFFF  }
0x46: {  	[sflag:s0] =	ssyncadd.tile.s32 @!p0 $0x1;
	_ =	shalt  }
.Lfunc_end2:
_tile_overlayer_lowered:
.L_overlay_start_2:
0x47: {  	(tag) =	ssettag $0x2  }
0x48: {  	s0 =	rddreg [dreg:$0x0];
	s2 =	stileid.u32  }
0x49: {  	s1 =	rddreg [dreg:$0x1];
	p0 =	sne.s32 s2, $0x0  }
0x4a: {  	s3 =	rddreg [dreg:$0x2];
	[bflag:$0x3] =	sbarrier.arrive $0xFFFF;
	s2 =	simm.s32 @!p0 $0x1C03  }
0x4b: {  	[timem:s3], [sflag:s2] =	dma.local @!p0 [hbm:s0], s1  }
0x4c: {  	s0 =	simm.s32 @!p0 $0x3  }
0x4d: {  	_ =	swait.ge @!p0 [sflag:s0], s1  }
0x4e: {  	s1 =	ssub.s32 @!p0 $0x0, s1;
	[sflag:s0] =	ssyncset.done @!p0 $0x0  }
0x4f: {  	[sflag:s0] =	ssyncadd.s32 @!p0 s1  }
0x50: {  	[bflag:$0x3] =	sbarrier.arrive $0xFFFF  }
0x51: {  	_ =	shalt  }

// kernel: kernel.13.cloned.1.call-start
scs
__scs_entry_jumppad:
0x0: {  	(pc) =	sbr.rel $0x88, $3  }
0x1: {  	(tag) =	ssettag $0x0;
	lr =	simm.s32 $0x1  }
0x2: {  	[smem:$0x3F9C] =	sst lr;
	_ =	strace $0xD0000000  }
0x3: {  	_ = 	snop  }
0x4: {  	_ = 	snop  }
0x5: {  	_ = 	snop  }
0x6: {  	_ = 	snop  }
0x7: {  	_ = 	snop  }
__scs_overlays_trampoline_lowered:
0x8: {  	[smem:$0x3FAB] =	sst s0  }
0x9: {  	[smem:$0x3FAC] =	sst s1  }
0xa: {  	[smem:$0x3FAD] =	sst s2  }
0xb: {  	[smem:$0x3FAE] =	sst s3  }
0xc: {  	[smem:$0x3FAF] =	sst s4  }
0xd: {  	[smem:$0x3FB0] =	sst s5  }
0xe: {  	[smem:$0x3FB1] =	sst s6  }
0xf: {  	[smem:$0x3FB2] =	sst s7  }
0x10: {  	[smem:$0x3FB3] =	sst s8  }
0x11: {  	[smem:$0x3FB4] =	sst s9;
	s0 =	simm.s32 @!p0 $0x0  }
0x12: {  	s1 =	sld [smem:$0x3F9A];
	s0 =	simm.s32 @p0 $0x1  }
0x13: {  	[smem:$0x3FB5] =	sst s0;
	s0 =	simm.s32 @!p1 $0x0  }
0x14: {  	s2 =	sld [smem:$0x3F99];
	s0 =	simm.s32 @p1 $0x1  }
0x15: {  	[smem:$0x3FB6] =	sst s0;
	s0 =	simm.s32 @!p2 $0x0  }
0x16: {  	s3 =	sld [smem:$0x3FDB];
	s0 =	simm.s32 @p2 $0x1  }
0x17: {  	s4 =	simm.s32 $0x1BF5;
	[smem:$0x3FB8] =	sst s0  }
0x18: {  	s0 =	sld [smem:$0x3F9B];
	_ =	swait.ge [sflag:s4], $0x0  }
0x19: {  	s7 =	sld [smem:$0x3F9C]  }
0x1a: {  	s8 =	sadd.s32 $0xFFFFE003, lr  }
0x1b: {  	s9 =	sadd.s32 $0xFFFFFEF7, lr;
	s5 =	simm.s32 $0xFFFFFFFF;
	p2 =	slt.u32 s8, $0xFFFFF086  }
0x1c: {  	p1 =	slt.u32 s9, $0xF7A;
	s5 =	simm.s32 @!p2 $0x0  }
0x1d: {  	s5 =	simm.s32 @p1 $0x1;
	p0 =	seq.s32 s7, s2  }
0x1e: {  	s7 =	smul.u32 @!p0 $0xF7A, s2;
	p2 =	seq.s32 @!p0 s5, $0x0  }
0x1f: {  	s9 =	smul.u32 $0xF7A, s1;
	s8 =	simm.s32 @!p0 $0x1BF5;
	p2 =	por !p2, p0  }
0x20: {  	[sflag:s8] =	ssyncset.s32 @!p0 $0xFFFFF086;
	s6 =	sadd.s32 @!p0 s3, s7;
	s7 =	simm.s32 @!p0 $0x108  }
0x21: {  	s3 =	sadd.s32 s3, s9;
	s6 =	sadd.s32 @!p0 $0x88, s6;
	s7 =	simm.s32 @p2 $0x1082  }
0x22: {  	[simem:s7], [sflag:s8] =	dma.local @!p0 [hbm:s6], $0xF7A  }
0x23: {  	s9 =	sor.u32 $0xD0000000, s2;
	s6 =	simm.s32 $0x108;
	_ =	swait.ge @!p0 [sflag:s8], $0x0  }
0x24: {  	s3 =	sadd.s32 $0x88, s3;
	s6 =	simm.s32 @!p1 $0x1082;
	[sflag:s4] =	ssyncset.s32 $0xFFFFF086  }
0x25: {  	[simem:s6], [sflag:s4] =	dma.local [hbm:s3], $0xF7A  }
0x26: {  	[smem:$0x3F9C] =	sst s1;
	(tag) =	ssettag s2;
	_ =	strace s9  }
0x27: {  	s1 =	sld [smem:$0x3FAC]  }
0x28: {  	s2 =	sld [smem:$0x3FAD]  }
0x29: {  	s4 =	sld [smem:$0x3FAF]  }
0x2a: {  	p0 =	seq.s32 s5, $0x0;
	s5 =	sld [smem:$0x3FB0]  }
0x2b: {  	s6 =	sld [smem:$0x3FB1]  }
0x2c: {  	s7 =	sld [smem:$0x3FB2]  }
0x2d: {  	s3 =	simm.s32 $0x108;
	s8 =	sld [smem:$0x3FB3]  }
0x2e: {  	s3 =	simm.s32 @!p0 $0x1082;
	s9 =	sld [smem:$0x3FB4]  }
0x2f: {  	lr =	sadd.s32 s0, s3;
	s0 =	sld [smem:$0x3FAB]  }
0x30: {  	s3 =	sld [smem:$0x3FAE]  }
0x31: {  	[smem:$0x3FB7] =	sst s10  }
0x32: {  	s10 =	sld [smem:$0x3FB5];
	_ =	sdelay $0x3  }
0x33: {  	p0 =	seq.s32 s10, $0x1;
	s10 =	sld [smem:$0x3FB7];
	_ =	sdelay $0x3  }
0x34: {  	[smem:$0x3FB7] =	sst s10  }
0x35: {  	s10 =	sld [smem:$0x3FB6];
	_ =	sdelay $0x3  }
0x36: {  	p1 =	seq.s32 s10, $0x1;
	s10 =	sld [smem:$0x3FB7];
	_ =	sdelay $0x3  }
0x37: {  	[smem:$0x3FB7] =	sst s10  }
0x38: {  	s10 =	sld [smem:$0x3FB8]  }
0x39: {  	_ = 	snop;
	(pc) =	sbr.ind lr, $3  }
0x3a: {  	_ = 	snop  }
0x3b: {  	_ = 	snop  }
0x3c: {  	p2 =	seq.s32 s10, $0x1;
	s10 =	sld [smem:$0x3FB7]  }
0x3d: {  	_ =	shalt  }
0x3e: {  	_ =	shalt  }
0x3f: {  	_ =	shalt  }
0x40: {  	_ =	shalt  }
0x41: {  	_ =	shalt  }
0x42: {  	_ =	shalt  }
0x43: {  	_ =	shalt  }
0x44: {  	_ =	shalt  }
0x45: {  	_ =	shalt  }
0x46: {  	_ =	shalt  }
0x47: {  	_ =	shalt  }
0x48: {  	_ =	shalt  }
0x49: {  	_ =	shalt  }
0x4a: {  	_ =	shalt  }
0x4b: {  	_ =	shalt  }
0x4c: {  	_ =	shalt  }
0x4d: {  	_ =	shalt  }
0x4e: {  	_ =	shalt  }
0x4f: {  	_ =	shalt  }
0x50: {  	_ =	shalt  }
0x51: {  	_ =	shalt  }
0x52: {  	_ =	shalt  }
0x53: {  	_ =	shalt  }
0x54: {  	_ =	shalt  }
0x55: {  	_ =	shalt  }
0x56: {  	_ =	shalt  }
0x57: {  	_ =	shalt  }
0x58: {  	_ =	shalt  }
0x59: {  	_ =	shalt  }
0x5a: {  	_ =	shalt  }
0x5b: {  	_ =	shalt  }
0x5c: {  	_ =	shalt  }
0x5d: {  	_ =	shalt  }
0x5e: {  	_ =	shalt  }
0x5f: {  	_ =	shalt  }
0x60: {  	_ =	shalt  }
0x61: {  	_ =	shalt  }
0x62: {  	_ =	shalt  }
0x63: {  	_ =	shalt  }
0x64: {  	_ =	shalt  }
0x65: {  	_ =	shalt  }
0x66: {  	_ =	shalt  }
0x67: {  	_ =	shalt  }
0x68: {  	_ =	shalt  }
0x69: {  	_ =	shalt  }
0x6a: {  	_ =	shalt  }
0x6b: {  	_ =	shalt  }
0x6c: {  	_ =	shalt  }
0x6d: {  	_ =	shalt  }
0x6e: {  	_ =	shalt  }
0x6f: {  	_ =	shalt  }
0x70: {  	_ =	shalt  }
0x71: {  	_ =	shalt  }
0x72: {  	_ =	shalt  }
0x73: {  	_ =	shalt  }
0x74: {  	_ =	shalt  }
0x75: {  	_ =	shalt  }
0x76: {  	_ =	shalt  }
0x77: {  	_ =	shalt  }
0x78: {  	_ =	shalt  }
0x79: {  	_ =	shalt  }
0x7a: {  	_ =	shalt  }
0x7b: {  	_ =	shalt  }
0x7c: {  	_ =	shalt  }
0x7d: {  	_ =	shalt  }
0x7e: {  	_ =	shalt  }
0x7f: {  	_ =	shalt  }
0x80: {  	_ =	shalt  }
0x81: {  	_ =	shalt  }
0x82: {  	_ =	shalt  }
0x83: {  	_ =	shalt  }
0x84: {  	_ =	shalt  }
0x85: {  	_ =	shalt  }
0x86: {  	_ =	shalt  }
0x87: {  	_ =	shalt  }
.Lfunc_end0:
.L_simem_size_0:
called_computation.1_lowered:
.L_overlay_start_0:
0x88: {  	s2 =	sld [smem:$0x3FD9]  }
0x89: {  	s3 =	sld [smem:$0x3FFE];
	_ =	sdelay $0x1  }
0x8a: {  	s1 =	srdreg.scid  }
0x8b: {  	s0 =	sand.u32 $0x1, s1  }
0x8c: {  	s17 =	sshll.u32 s0, $0xA;
	s2 =	sadd.s32 s3, s2  }
0x8d: {  	s2 =	sadd.s32 s2, s17  }
0x8e: {  	[smem:$0x3FC3] =	sst s2  }
0x8f: {  	_ = 	snop  }
0x90: {  	s18 =	sld [smem:$0x3FC8];
	(tm) =	ssettm $0x1  }
0x91: {  	s19 =	sld [smem:$0x3FFB];
	_ =	sdelay $0x3  }
0x92: {  	_ =	strace s19  }
0x93: {  	s2 =	sld [smem:$0x3FFC];
	_ =	sdelay $0x3  }
0x94: {  	_ =	strace s2  }
0x95: {  	s2 =	sld [smem:$0x3FFD];
	_ =	sdelay $0x3  }
0x96: {  	_ =	strace s2  }
0x97: {  	_ =	strace $0x8FFFFFFF  }
0x98: {  	s20 =	sld [smem:$0x3FDB];
	_ =	sdelay $0x1  }
0x99: {  	s4 =	simm.s32 $_scs_section_size  }
0x9a: {  	s5 =	simm.s32 $_size__tile_overlayer_lowered;
	s6 =	simm.s32 $_tile_overlayer_lowered  }
0x9b: {  	s7 =	simm.s32 $0x1BFF;
	s21 =	sshll.u32 s6, $0x1;
	s4 =	sadd.s32 s4, s20  }
0x9c: {  	s22 =	simm.s32 $0x0;
	s5 =	sshll.u32 s5, $0x1;
	s6 =	sadd.s32 s21, s4  }
0x9d: {  	[timem:s22], [sflag:s7] =	dma.local [hbm:s6], s5  }
0x9e: {  	_ =	swait.ge [sflag:s7], s5  }
0x9f: {  	s5 =	ssub.s32 $0x0, s5;
	[sflag:s7] =	ssyncset.done $0x0  }
0xa0: {  	[sflag:s7] =	ssyncadd.s32 s5;
	_ =	sdelay $0x1  }
0xa1: {  	s23 =	simm.s32 $0x1B8B  }
0xa2: {  	_ =	swait.ge [sflag:s23], $0x1  }
0xa3: {  	[sflag:s23] =	ssyncset.done $0x0  }
0xa4: {  	[sflag:s23] =	ssyncadd.s32 $0xFFFFFFFF  }
0xa5: {  	s5 =	sld [smem:$0x0]  }
0xa6: {  	s6 =	sand.u32 $0xFFFFFFFE, s1  }
0xa7: {  	p0 =	sne.s32 s1, s6  }
0xa8: {  	s6 =	sshll.u32 @p0 s6, $0xE  }
0xa9: {  	s6 =	sadd.s32 @p0 $0x11B8D, s6;
	s7 =	sshll.u32 @p0 s5, $0x11  }
0xaa: {  	s6 =	sor.u32 @p0 s7, s6  }
0xab: {  	[sflag:s6] =	ssyncadd.remote.s32 @p0 $0x1;
	_ =	sdelay $0x1  }
0xac: {  	s6 =	simm.s32 @p0 $0x1B8D  }
0xad: {  	_ =	swait.eq @p0 [sflag:s6], $0x1  }
0xae: {  	[sflag:s6] =	ssyncadd.s32 @p0 $0xFFFFFFFF  }
0xaf: {  	s7 =	sshll.u32 @!p0 s1, $0xE  }
0xb0: {  	s7 =	sor.u32 @!p0 $0x4000, s7;
	s6 =	simm.s32 @!p0 $0x1B8D  }
0xb1: {  	s5 =	sshll.u32 @!p0 s5, $0x11;
	s7 =	sadd.s32 @!p0 $0x11B8D, s7;
	_ =	swait.eq @!p0 [sflag:s6], $0x1  }
0xb2: {  	s5 =	sor.u32 @!p0 s5, s7;
	[sflag:s6] =	ssyncadd.s32 @!p0 $0xFFFFFFFF  }
0xb3: {  	s25 =	simm.s32 $0x1B8E;
	s24 =	sld [smem:$0x3FFE];
	[sflag:s5] =	ssyncadd.remote.s32 @!p0 $0x1  }
0xb4: {  	s26 =	simm.s32 $execute0_lowered;
	[smem:$0x3FD2] =	sst s25  }
0xb5: {  	s6 =	sshll.u32 s26, $0x1;
	_ =	strace $0x8000004C;
	[dreg:$0x1] =	wrdreg $0xFFFFFFFF  }
0xb6: {  	s28 =	simm.s32 $_size_execute0_lowered;
	s4 =	sadd.s32 s4, s6;
	[dreg:$0x0] =	wrdreg $0x0  }
0xb7: {  	s6 =	sshll.u32 s28, $0x1;
	[dreg:$0x2] =	wrdreg s4  }
0xb8: {  	[dreg:$0x3] =	wrdreg s6  }
0xb9: {  	[dreg:$0x4] =	wrdreg $0xC0  }
0xba: {  	_ =	task [dreg:s22], $0x5FFFF  }
0xbb: {  	[dreg:$0x1] =	wrdreg $0xFFFFFFFF  }
0xbc: {  	[dreg:$0x0] =	wrdreg $0x60  }
0xbd: {  	[dreg:$0x2] =	wrdreg s24  }
0xbe: {  	[dreg:$0x3] =	wrdreg s18  }
0xbf: {  	[dreg:$0x4] =	wrdreg $0xA  }
0xc0: {  	_ =	task.clear_ibuf [dreg:s22], $0x5FFFF;
	_ =	strace $0x9000004C  }
0xc1: {  	s29 =	simm.s32 $0xA;
	_ =	strace $0x8000004E  }
0xc2: {  	_ =	swait.ge [sflag:s29], $0x1  }
0xc3: {  	[sflag:s29] =	ssyncadd.s32 $0xFFFFFFFF  }
0xc4: {  	_ =	strace $0x9000004E  }
0xc5: {  	_ =	sfence  }
0xc6: {  	s30 =	sld [smem:$0x0];
	_ =	sdelay $0x2  }
0xc7: {  	s31 =	sshll.u32 s1, $0xD;
	s1 =	sshrl.u32 s1, $0x2  }
0xc8: {  	s4 =	sand.u32 $0x4000, s31;
	s1 =	sadd.s32 s1, s30  }
0xc9: {  	s0 =	sor.u32 s4, s0;
	s1 =	sshll.u32 s1, $0x11  }
0xca: {  	s0 =	sor.u32 s1, s0  }
0xcb: {  	s0 =	sadd.s32 $0x8F2B, s0  }
0xcc: {  	[sflag:s0] =	ssyncadd.remote.s32 $0x1  }
0xcd: {  	_ =	sfence.sel $0xFFFF  }
0xce: {  	[dreg:$0x0] =	wrdreg $0xFFFFFFFF;
	(pc) =	sbr.abs _section_cstart, $3  }
0xcf: {  	[dreg:$0x1] =	wrdreg $0xFFFFFFFF  }
0xd0: {  	_ =	task.clear_ibuf [dreg:s22], $0x2FFFF;
	_ =	strace $0x9FFFFFFF  }
0xd1: {  	(tm) =	ssettm $0x7FFFFFFF  }
tec
execute0_lowered:
.L_overlay_start_1:
0x0: {  	(tag) =	ssettag $0x1  }
0x1: {  	s1 =	srdreg.scid;
	s4 =	rddreg [dreg:$0x0]  }
0x2: {  	s0 =	stileid.u32;
	s2 =	rddreg [dreg:$0x1];
	s3 =	simm.s32 $0x0  }
0x3: {  	s11 =	simm.s32 $0xC00;
	s12 =	simm.s32 $0x3400;
	s13 =	simm.s32 $0x1  }
0x4: {  	s14 =	simm.s32 $0x2;
	s15 =	simm.s32 $0x980;
	s16 =	simm.s32 $0x0  }
0x5: {  	s6 =	sand.u32 $0x1, s1;
	s25 =	sshll.u32 s0, $0x1;
	s1 =	rddreg [dreg:$0x2]  }
0x6: {  	[smem:$0x7FF] =	sst s3;
	s29 =	smul.u32 $0xC800, s0;
	s5 =	sor.u32 s6, s25  }
0x7: {  	s9 =	sadd.s32 $0x19AE00, s4;
	s8 =	ssub.s32 $0x2, s6;
	s7 =	smul.u32 $0x180, s5  }
0x8: {  	_ =	strace $0x8000004D;
	s26 =	sshrl.u32 s8, $0x1;
	s10 =	smul.u32 $0x6400, s5  }
0x9: {  	s31 =	smul.u32 $0x6400, s6;
	s28 =	ssub.s32 s8, s26;
	s8 =	sadd.s32 s29, s9  }
0xa: {  	s7 =	sadd.s32 s7, s4;
	s5 =	smax.u32 s28, $0x1;
	s30 =	sadd.s32 s9, s10  }
0xb: {  	s8 =	sadd.s32 s31, s8;
	s9 =	simm.s32 $0x3;
	s10 =	simm.s32 $0x50  }
0xc: {  	s4 =	sadd.s32 $0x7E00, s7;
	s6 =	sadd.s32 $0x5A00, s30;
	s7 =	sadd.s32 $0x5F00, s30  }
.LBB2_1:
0xd: {  	[tilespmem:s3], [sflag:$0x3] =	stream.linear.gather [hbm4b:s4+s3], $0xA00, $0x38;
	[tilespmem:$0x5C00] =	vst v63  }
0xe: {  	_ =	swait.ge [sflag:s9], $0xA00  }
0xf: {  	[sflag:s9] =	ssyncset.done $0x0  }
0x10: {  	[sflag:s9] =	ssyncadd.s32 $0xFFFFF600  }
0x11: {  	[tilespmem:s11], [sflag:$0x1] =	stream.indirect.gather [hbm4b:s2+s10], $0x80, s3, s10, $0xb8;
	[tilespmem:$0x5C00] =	vst v63  }
0x12: {  	s17 =	simm.s32 $0x80  }
0x13: {  	[tilespmem:s12], [sflag:$0x2] =	stream.indirect.gather [hbm4b:s2+s10], $0x80, s17, s10, $0xb8;
	[tilespmem:$0x5C00] =	vst v63  }
0x14: {  	_ =	swait.ge [sflag:s13], $0x2800  }
0x15: {  	[sflag:s13] =	ssyncset.done $0x0  }
0x16: {  	s18 =	sadd.s32 $0x0, s8;
	[sflag:s13] =	ssyncadd.s32 $0xFFFFD800  }
0x17: {  	[hbm4b:s18+s3] =	stream.linear.scatter [tilespmem:s11], [sflag:$0x3], $0x2800, $0x38;
	[tilespmem:$0x5C00] =	vst v63  }
0x18: {  	_ =	swait.ge [sflag:s9], $0x2800  }
0x19: {  	[sflag:s9] =	ssyncset.done $0x0  }
0x1a: {  	s19 =	simm.s32 $0x100;
	[sflag:s9] =	ssyncadd.s32 $0xFFFFD800  }
0x1b: {  	[tilespmem:s11], [sflag:$0x1] =	stream.indirect.gather [hbm4b:s2+s10], $0x80, s19, s10, $0xb8;
	[tilespmem:$0x5C00] =	vst v63  }
0x1c: {  	_ =	swait.ge [sflag:s14], $0x2800  }
0x1d: {  	[sflag:s14] =	ssyncset.done $0x0  }
0x1e: {  	s18 =	sadd.s32 $0x500, s18;
	[sflag:s14] =	ssyncadd.s32 $0xFFFFD800  }
0x1f: {  	[hbm4b:s18+s3] =	stream.linear.scatter [tilespmem:s12], [sflag:$0x3], $0x2800, $0x38;
	[tilespmem:$0x5C00] =	vst v63  }
0x20: {  	_ =	swait.ge [sflag:s9], $0x2800  }
0x21: {  	s18 =	simm.s32 $0xA00;
	[sflag:s9] =	ssyncset.done $0x0  }
.LBB2_2:
0x22: {  	p0 =	sne.s32 s18, $0x5000;
	[sflag:s9] =	ssyncadd.s32 $0xFFFFD800;
	s17 =	sadd.s32 $0x100, s17  }
0x23: {  	[tilespmem:s12], [sflag:$0x2] =	stream.indirect.gather [hbm4b:s2+s10], $0x80, s17, s10, $0xb8;
	[tilespmem:$0x5C00] =	vst v63  }
0x24: {  	s19 =	smov.u32 s18;
	s18 =	sadd.s32 $0xA00, s18;
	_ =	swait.ge [sflag:s13], $0x2800  }
0x25: {  	[sflag:s13] =	ssyncset.done $0x0  }
0x26: {  	s19 =	sadd.s32 s19, s8;
	[sflag:s13] =	ssyncadd.s32 $0xFFFFD800  }
0x27: {  	[hbm4b:s19+s3] =	stream.linear.scatter [tilespmem:s11], [sflag:$0x3], $0x2800, $0x38;
	[tilespmem:$0x5C00] =	vst v63  }
0x28: {  	_ =	swait.ge [sflag:s9], $0x2800  }
0x29: {  	[sflag:s9] =	ssyncset.done $0x0  }
0x2a: {  	s20 =	sadd.s32 $0x80, s17;
	[sflag:s9] =	ssyncadd.s32 $0xFFFFD800  }
0x2b: {  	[tilespmem:s11], [sflag:$0x1] =	stream.indirect.gather [hbm4b:s2+s10], $0x80, s20, s10, $0xb8;
	[tilespmem:$0x5C00] =	vst v63  }
0x2c: {  	_ =	swait.ge [sflag:s14], $0x2800  }
.Ltmp0:
0x2d: {  	[sflag:s14] =	ssyncset.done $0x0;
	(pc) =	sbr.rel @p0 .LBB2_2-.Ltmp0, $4  }
0x2e: {  	s19 =	sadd.s32 $0x500, s19;
	[sflag:s14] =	ssyncadd.s32 $0xFFFFD800  }
0x2f: {  	[hbm4b:s19+s3] =	stream.linear.scatter [tilespmem:s12], [sflag:$0x3], $0x2800, $0x38;
	[tilespmem:$0x5C00] =	vst v63  }
0x30: {  	_ =	swait.ge [sflag:s9], $0x2800  }
0x31: {  	[sflag:s9] =	ssyncset.done $0x0  }
0x32: {  	[sflag:s9] =	ssyncadd.s32 $0xFFFFD800  }
0x33: {  	[tilespmem:s12], [sflag:$0x2] =	stream.indirect.gather [hbm4b:s2+s10], $0x80, s15, s10, $0xb8;
	[tilespmem:$0x5C00] =	vst v63  }
0x34: {  	_ =	swait.ge [sflag:s13], $0x2800  }
0x35: {  	[sflag:s13] =	ssyncset.done $0x0  }
0x36: {  	[sflag:s13] =	ssyncadd.s32 $0xFFFFD800  }
0x37: {  	[hbm4b:s6+s3] =	stream.linear.scatter [tilespmem:s11], [sflag:$0x3], $0x2800, $0x38;
	[tilespmem:$0x5C00] =	vst v63  }
0x38: {  	_ =	swait.ge [sflag:s9], $0x2800  }
0x39: {  	[sflag:s9] =	ssyncset.done $0x0  }
0x3a: {  	[sflag:s9] =	ssyncadd.s32 $0xFFFFD800  }
0x3b: {  	s16 =	sadd.s32 $0x1, s16;
	_ =	swait.ge [sflag:s14], $0x2800  }
0x3c: {  	p0 =	sne.s32 s16, s5;
	[sflag:s14] =	ssyncset.done $0x0  }
.Ltmp1:
0x3d: {  	[sflag:s14] =	ssyncadd.s32 $0xFFFFD800;
	(pc) =	sbr.rel @p0 .LBB2_1-.Ltmp1, $4  }
0x3e: {  	[hbm4b:s7+s3] =	stream.linear.scatter [tilespmem:s12], [sflag:$0x3], $0x2800, $0x38;
	[tilespmem:$0x5C00] =	vst v63  }
0x3f: {  	_ =	swait.ge [sflag:s9], $0x2800  }
0x40: {  	[sflag:s9] =	ssyncset.done $0x0  }
0x41: {  	[sflag:s9] =	ssyncadd.s32 $0xFFFFD800  }
0x42: {  	_ =	sfence.sel $0x180000  }
0x43: {  	[bflag:$0x0] =	sbarrier.arrive $0xFFFF  }
0x44: {  	p0 =	sne.s32 s0, $0x0;
	_ =	strace $0x9000004D  }
0x45: {  	s0 =	sadd.s32 @!p0 $0x100000, s1;
	[bflag:$0x2] =	sbarrier.arrive $0xFFFF  }
0x46: {  	[sflag:s0] =	ssyncadd.tile.s32 @!p0 $0x1;
	_ =	shalt  }
.Lfunc_end2:
_tile_overlayer_lowered:
.L_overlay_start_2:
0x47: {  	(tag) =	ssettag $0x2  }
0x48: {  	s0 =	rddreg [dreg:$0x0];
	s2 =	stileid.u32  }
0x49: {  	s1 =	rddreg [dreg:$0x1];
	p0 =	sne.s32 s2, $0x0  }
0x4a: {  	s3 =	rddreg [dreg:$0x2];
	[bflag:$0x3] =	sbarrier.arrive $0xFFFF;
	s2 =	simm.s32 @!p0 $0x1C03  }
0x4b: {  	[timem:s3], [sflag:s2] =	dma.local @!p0 [hbm:s0], s1  }
0x4c: {  	s0 =	simm.s32 @!p0 $0x3  }
0x4d: {  	_ =	swait.ge @!p0 [sflag:s0], s1  }
0x4e: {  	s1 =	ssub.s32 @!p0 $0x0, s1;
	[sflag:s0] =	ssyncset.done @!p0 $0x0  }
0x4f: {  	[sflag:s0] =	ssyncadd.s32 @!p0 s1  }
0x50: {  	[bflag:$0x3] =	sbarrier.arrive $0xFFFF  }
0x51: {  	_ =	shalt  }

// kernel: kernel.16.cloned.1.call-start
scs
__scs_entry_jumppad:
0x0: {  	(pc) =	sbr.rel $0x88, $3  }
0x1: {  	(tag) =	ssettag $0x0;
	lr =	simm.s32 $0x1  }
0x2: {  	[smem:$0x3F9C] =	sst lr;
	_ =	strace $0xD0000000  }
0x3: {  	_ = 	snop  }
0x4: {  	_ = 	snop  }
0x5: {  	_ = 	snop  }
0x6: {  	_ = 	snop  }
0x7: {  	_ = 	snop  }
__scs_overlays_trampoline_lowered:
0x8: {  	[smem:$0x3FAB] =	sst s0  }
0x9: {  	[smem:$0x3FAC] =	sst s1  }
0xa: {  	[smem:$0x3FAD] =	sst s2  }
0xb: {  	[smem:$0x3FAE] =	sst s3  }
0xc: {  	[smem:$0x3FAF] =	sst s4  }
0xd: {  	[smem:$0x3FB0] =	sst s5  }
0xe: {  	[smem:$0x3FB1] =	sst s6  }
0xf: {  	[smem:$0x3FB2] =	sst s7  }
0x10: {  	[smem:$0x3FB3] =	sst s8  }
0x11: {  	[smem:$0x3FB4] =	sst s9;
	s0 =	simm.s32 @!p0 $0x0  }
0x12: {  	s1 =	sld [smem:$0x3F9A];
	s0 =	simm.s32 @p0 $0x1  }
0x13: {  	[smem:$0x3FB5] =	sst s0;
	s0 =	simm.s32 @!p1 $0x0  }
0x14: {  	s2 =	sld [smem:$0x3F99];
	s0 =	simm.s32 @p1 $0x1  }
0x15: {  	[smem:$0x3FB6] =	sst s0;
	s0 =	simm.s32 @!p2 $0x0  }
0x16: {  	s3 =	sld [smem:$0x3FDB];
	s0 =	simm.s32 @p2 $0x1  }
0x17: {  	s4 =	simm.s32 $0x1BF5;
	[smem:$0x3FB8] =	sst s0  }
0x18: {  	s0 =	sld [smem:$0x3F9B];
	_ =	swait.ge [sflag:s4], $0x0  }
0x19: {  	s7 =	sld [smem:$0x3F9C]  }
0x1a: {  	s8 =	sadd.s32 $0xFFFFE003, lr  }
0x1b: {  	s9 =	sadd.s32 $0xFFFFFEF7, lr;
	s5 =	simm.s32 $0xFFFFFFFF;
	p2 =	slt.u32 s8, $0xFFFFF086  }
0x1c: {  	p1 =	slt.u32 s9, $0xF7A;
	s5 =	simm.s32 @!p2 $0x0  }
0x1d: {  	s5 =	simm.s32 @p1 $0x1;
	p0 =	seq.s32 s7, s2  }
0x1e: {  	s7 =	smul.u32 @!p0 $0xF7A, s2;
	p2 =	seq.s32 @!p0 s5, $0x0  }
0x1f: {  	s9 =	smul.u32 $0xF7A, s1;
	s8 =	simm.s32 @!p0 $0x1BF5;
	p2 =	por !p2, p0  }
0x20: {  	[sflag:s8] =	ssyncset.s32 @!p0 $0xFFFFF086;
	s6 =	sadd.s32 @!p0 s3, s7;
	s7 =	simm.s32 @!p0 $0x108  }
0x21: {  	s3 =	sadd.s32 s3, s9;
	s6 =	sadd.s32 @!p0 $0x88, s6;
	s7 =	simm.s32 @p2 $0x1082  }
0x22: {  	[simem:s7], [sflag:s8] =	dma.local @!p0 [hbm:s6], $0xF7A  }
0x23: {  	s9 =	sor.u32 $0xD0000000, s2;
	s6 =	simm.s32 $0x108;
	_ =	swait.ge @!p0 [sflag:s8], $0x0  }
0x24: {  	s3 =	sadd.s32 $0x88, s3;
	s6 =	simm.s32 @!p1 $0x1082;
	[sflag:s4] =	ssyncset.s32 $0xFFFFF086  }
0x25: {  	[simem:s6], [sflag:s4] =	dma.local [hbm:s3], $0xF7A  }
0x26: {  	[smem:$0x3F9C] =	sst s1;
	(tag) =	ssettag s2;
	_ =	strace s9  }
0x27: {  	s1 =	sld [smem:$0x3FAC]  }
0x28: {  	s2 =	sld [smem:$0x3FAD]  }
0x29: {  	s4 =	sld [smem:$0x3FAF]  }
0x2a: {  	p0 =	seq.s32 s5, $0x0;
	s5 =	sld [smem:$0x3FB0]  }
0x2b: {  	s6 =	sld [smem:$0x3FB1]  }
0x2c: {  	s7 =	sld [smem:$0x3FB2]  }
0x2d: {  	s3 =	simm.s32 $0x108;
	s8 =	sld [smem:$0x3FB3]  }
0x2e: {  	s3 =	simm.s32 @!p0 $0x1082;
	s9 =	sld [smem:$0x3FB4]  }
0x2f: {  	lr =	sadd.s32 s0, s3;
	s0 =	sld [smem:$0x3FAB]  }
0x30: {  	s3 =	sld [smem:$0x3FAE]  }
0x31: {  	[smem:$0x3FB7] =	sst s10  }
0x32: {  	s10 =	sld [smem:$0x3FB5];
	_ =	sdelay $0x3  }
0x33: {  	p0 =	seq.s32 s10, $0x1;
	s10 =	sld [smem:$0x3FB7];
	_ =	sdelay $0x3  }
0x34: {  	[smem:$0x3FB7] =	sst s10  }
0x35: {  	s10 =	sld [smem:$0x3FB6];
	_ =	sdelay $0x3  }
0x36: {  	p1 =	seq.s32 s10, $0x1;
	s10 =	sld [smem:$0x3FB7];
	_ =	sdelay $0x3  }
0x37: {  	[smem:$0x3FB7] =	sst s10  }
0x38: {  	s10 =	sld [smem:$0x3FB8]  }
0x39: {  	_ = 	snop;
	(pc) =	sbr.ind lr, $3  }
0x3a: {  	_ = 	snop  }
0x3b: {  	_ = 	snop  }
0x3c: {  	p2 =	seq.s32 s10, $0x1;
	s10 =	sld [smem:$0x3FB7]  }
0x3d: {  	_ =	shalt  }
0x3e: {  	_ =	shalt  }
0x3f: {  	_ =	shalt  }
0x40: {  	_ =	shalt  }
0x41: {  	_ =	shalt  }
0x42: {  	_ =	shalt  }
0x43: {  	_ =	shalt  }
0x44: {  	_ =	shalt  }
0x45: {  	_ =	shalt  }
0x46: {  	_ =	shalt  }
0x47: {  	_ =	shalt  }
0x48: {  	_ =	shalt  }
0x49: {  	_ =	shalt  }
0x4a: {  	_ =	shalt  }
0x4b: {  	_ =	shalt  }
0x4c: {  	_ =	shalt  }
0x4d: {  	_ =	shalt  }
0x4e: {  	_ =	shalt  }
0x4f: {  	_ =	shalt  }
0x50: {  	_ =	shalt  }
0x51: {  	_ =	shalt  }
0x52: {  	_ =	shalt  }
0x53: {  	_ =	shalt  }
0x54: {  	_ =	shalt  }
0x55: {  	_ =	shalt  }
0x56: {  	_ =	shalt  }
0x57: {  	_ =	shalt  }
0x58: {  	_ =	shalt  }
0x59: {  	_ =	shalt  }
0x5a: {  	_ =	shalt  }
0x5b: {  	_ =	shalt  }
0x5c: {  	_ =	shalt  }
0x5d: {  	_ =	shalt  }
0x5e: {  	_ =	shalt  }
0x5f: {  	_ =	shalt  }
0x60: {  	_ =	shalt  }
0x61: {  	_ =	shalt  }
0x62: {  	_ =	shalt  }
0x63: {  	_ =	shalt  }
0x64: {  	_ =	shalt  }
0x65: {  	_ =	shalt  }
0x66: {  	_ =	shalt  }
0x67: {  	_ =	shalt  }
0x68: {  	_ =	shalt  }
0x69: {  	_ =	shalt  }
0x6a: {  	_ =	shalt  }
0x6b: {  	_ =	shalt  }
0x6c: {  	_ =	shalt  }
0x6d: {  	_ =	shalt  }
0x6e: {  	_ =	shalt  }
0x6f: {  	_ =	shalt  }
0x70: {  	_ =	shalt  }
0x71: {  	_ =	shalt  }
0x72: {  	_ =	shalt  }
0x73: {  	_ =	shalt  }
0x74: {  	_ =	shalt  }
0x75: {  	_ =	shalt  }
0x76: {  	_ =	shalt  }
0x77: {  	_ =	shalt  }
0x78: {  	_ =	shalt  }
0x79: {  	_ =	shalt  }
0x7a: {  	_ =	shalt  }
0x7b: {  	_ =	shalt  }
0x7c: {  	_ =	shalt  }
0x7d: {  	_ =	shalt  }
0x7e: {  	_ =	shalt  }
0x7f: {  	_ =	shalt  }
0x80: {  	_ =	shalt  }
0x81: {  	_ =	shalt  }
0x82: {  	_ =	shalt  }
0x83: {  	_ =	shalt  }
0x84: {  	_ =	shalt  }
0x85: {  	_ =	shalt  }
0x86: {  	_ =	shalt  }
0x87: {  	_ =	shalt  }
.Lfunc_end0:
.L_simem_size_0:
called_computation.2_lowered:
.L_overlay_start_0:
0x88: {  	s2 =	sld [smem:$0x3FD9]  }
0x89: {  	s3 =	sld [smem:$0x3FFE];
	_ =	sdelay $0x1  }
0x8a: {  	s1 =	srdreg.scid  }
0x8b: {  	s0 =	sand.u32 $0x1, s1  }
0x8c: {  	s17 =	sshll.u32 s0, $0xA;
	s2 =	sadd.s32 s3, s2  }
0x8d: {  	s2 =	sadd.s32 s2, s17  }
0x8e: {  	[smem:$0x3FC3] =	sst s2  }
0x8f: {  	_ = 	snop  }
0x90: {  	s18 =	sld [smem:$0x3FC8];
	(tm) =	ssettm $0x1  }
0x91: {  	s19 =	sld [smem:$0x3FFB];
	_ =	sdelay $0x3  }
0x92: {  	_ =	strace s19  }
0x93: {  	s2 =	sld [smem:$0x3FFC];
	_ =	sdelay $0x3  }
0x94: {  	_ =	strace s2  }
0x95: {  	s2 =	sld [smem:$0x3FFD];
	_ =	sdelay $0x3  }
0x96: {  	_ =	strace s2  }
0x97: {  	_ =	strace $0x8FFFFFFF  }
0x98: {  	s20 =	sld [smem:$0x3FDB];
	_ =	sdelay $0x1  }
0x99: {  	s4 =	simm.s32 $_scs_section_size  }
0x9a: {  	s5 =	simm.s32 $_size__tile_overlayer_lowered;
	s6 =	simm.s32 $_tile_overlayer_lowered  }
0x9b: {  	s7 =	simm.s32 $0x1BFF;
	s21 =	sshll.u32 s6, $0x1;
	s4 =	sadd.s32 s4, s20  }
0x9c: {  	s22 =	simm.s32 $0x0;
	s5 =	sshll.u32 s5, $0x1;
	s6 =	sadd.s32 s21, s4  }
0x9d: {  	[timem:s22], [sflag:s7] =	dma.local [hbm:s6], s5  }
0x9e: {  	_ =	swait.ge [sflag:s7], s5  }
0x9f: {  	s5 =	ssub.s32 $0x0, s5;
	[sflag:s7] =	ssyncset.done $0x0  }
0xa0: {  	[sflag:s7] =	ssyncadd.s32 s5;
	_ =	sdelay $0x1  }
0xa1: {  	s23 =	simm.s32 $0x1B8B  }
0xa2: {  	_ =	swait.ge [sflag:s23], $0x1  }
0xa3: {  	[sflag:s23] =	ssyncset.done $0x0  }
0xa4: {  	[sflag:s23] =	ssyncadd.s32 $0xFFFFFFFF  }
0xa5: {  	s5 =	sld [smem:$0x0]  }
0xa6: {  	s6 =	sand.u32 $0xFFFFFFFE, s1  }
0xa7: {  	p0 =	sne.s32 s1, s6  }
0xa8: {  	s6 =	sshll.u32 @p0 s6, $0xE  }
0xa9: {  	s6 =	sadd.s32 @p0 $0x11B8D, s6;
	s7 =	sshll.u32 @p0 s5, $0x11  }
0xaa: {  	s6 =	sor.u32 @p0 s7, s6  }
0xab: {  	[sflag:s6] =	ssyncadd.remote.s32 @p0 $0x1;
	_ =	sdelay $0x1  }
0xac: {  	s6 =	simm.s32 @p0 $0x1B8D  }
0xad: {  	_ =	swait.eq @p0 [sflag:s6], $0x1  }
0xae: {  	[sflag:s6] =	ssyncadd.s32 @p0 $0xFFFFFFFF  }
0xaf: {  	s7 =	sshll.u32 @!p0 s1, $0xE  }
0xb0: {  	s7 =	sor.u32 @!p0 $0x4000, s7;
	s6 =	simm.s32 @!p0 $0x1B8D  }
0xb1: {  	s5 =	sshll.u32 @!p0 s5, $0x11;
	s7 =	sadd.s32 @!p0 $0x11B8D, s7;
	_ =	swait.eq @!p0 [sflag:s6], $0x1  }
0xb2: {  	s5 =	sor.u32 @!p0 s5, s7;
	[sflag:s6] =	ssyncadd.s32 @!p0 $0xFFFFFFFF  }
0xb3: {  	s25 =	simm.s32 $0x1B8E;
	s24 =	sld [smem:$0x3FFE];
	[sflag:s5] =	ssyncadd.remote.s32 @!p0 $0x1  }
0xb4: {  	s26 =	simm.s32 $execute0_lowered;
	[smem:$0x3FD2] =	sst s25  }
0xb5: {  	s6 =	sshll.u32 s26, $0x1;
	_ =	strace $0x80000049;
	[dreg:$0x1] =	wrdreg $0xFFFFFFFF  }
0xb6: {  	s28 =	simm.s32 $_size_execute0_lowered;
	s4 =	sadd.s32 s4, s6;
	[dreg:$0x0] =	wrdreg $0x0  }
0xb7: {  	s6 =	sshll.u32 s28, $0x1;
	[dreg:$0x2] =	wrdreg s4  }
0xb8: {  	[dreg:$0x3] =	wrdreg s6  }
0xb9: {  	[dreg:$0x4] =	wrdreg $0xC0  }
0xba: {  	_ =	task [dreg:s22], $0x5FFFF  }
0xbb: {  	[dreg:$0x1] =	wrdreg $0xFFFFFFFF  }
0xbc: {  	[dreg:$0x0] =	wrdreg $0x60  }
0xbd: {  	[dreg:$0x2] =	wrdreg s24  }
0xbe: {  	[dreg:$0x3] =	wrdreg s18  }
0xbf: {  	[dreg:$0x4] =	wrdreg $0xB  }
0xc0: {  	_ =	task.clear_ibuf [dreg:s22], $0x5FFFF;
	_ =	strace $0x90000049  }
0xc1: {  	s29 =	simm.s32 $0xB;
	_ =	strace $0x8000004B  }
0xc2: {  	_ =	swait.ge [sflag:s29], $0x1  }
0xc3: {  	[sflag:s29] =	ssyncadd.s32 $0xFFFFFFFF  }
0xc4: {  	_ =	strace $0x9000004B  }
0xc5: {  	_ =	sfence  }
0xc6: {  	s30 =	sld [smem:$0x0];
	_ =	sdelay $0x2  }
0xc7: {  	s31 =	sshll.u32 s1, $0xD;
	s1 =	sshrl.u32 s1, $0x2  }
0xc8: {  	s4 =	sand.u32 $0x4000, s31;
	s1 =	sadd.s32 s1, s30  }
0xc9: {  	s0 =	sor.u32 s4, s0;
	s1 =	sshll.u32 s1, $0x11  }
0xca: {  	s0 =	sor.u32 s1, s0  }
0xcb: {  	s0 =	sadd.s32 $0x8F2B, s0  }
0xcc: {  	[sflag:s0] =	ssyncadd.remote.s32 $0x1  }
0xcd: {  	_ =	sfence.sel $0xFFFF  }
0xce: {  	[dreg:$0x0] =	wrdreg $0xFFFFFFFF;
	(pc) =	sbr.abs _section_cstart, $3  }
0xcf: {  	[dreg:$0x1] =	wrdreg $0xFFFFFFFF  }
0xd0: {  	_ =	task.clear_ibuf [dreg:s22], $0x2FFFF;
	_ =	strace $0x9FFFFFFF  }
0xd1: {  	(tm) =	ssettm $0x7FFFFFFF  }
tec
execute0_lowered:
.L_overlay_start_1:
0x0: {  	(tag) =	ssettag $0x1  }
0x1: {  	s1 =	srdreg.scid;
	s4 =	rddreg [dreg:$0x0]  }
0x2: {  	s0 =	stileid.u32;
	s2 =	rddreg [dreg:$0x1];
	s3 =	simm.s32 $0x0  }
0x3: {  	s11 =	simm.s32 $0xC00;
	s12 =	simm.s32 $0x3400;
	s13 =	simm.s32 $0x1  }
0x4: {  	s14 =	simm.s32 $0x2;
	s15 =	simm.s32 $0x980;
	s16 =	simm.s32 $0x0  }
0x5: {  	s6 =	sand.u32 $0x1, s1;
	s25 =	sshll.u32 s0, $0x1;
	s1 =	rddreg [dreg:$0x2]  }
0x6: {  	[smem:$0x7FF] =	sst s3;
	s29 =	smul.u32 $0xC800, s0;
	s5 =	sor.u32 s6, s25  }
0x7: {  	s9 =	sadd.s32 $0xD2E00, s4;
	s8 =	ssub.s32 $0x2, s6;
	s7 =	smul.u32 $0x180, s5  }
0x8: {  	_ =	strace $0x8000004A;
	s26 =	sshrl.u32 s8, $0x1;
	s10 =	smul.u32 $0x6400, s5  }
0x9: {  	s31 =	smul.u32 $0x6400, s6;
	s28 =	ssub.s32 s8, s26;
	s8 =	sadd.s32 s29, s9  }
0xa: {  	s7 =	sadd.s32 s7, s4;
	s5 =	smax.u32 s28, $0x1;
	s30 =	sadd.s32 s9, s10  }
0xb: {  	s8 =	sadd.s32 s31, s8;
	s9 =	simm.s32 $0x3;
	s10 =	simm.s32 $0x50  }
0xc: {  	s4 =	sadd.s32 $0x4E00, s7;
	s6 =	sadd.s32 $0x5A00, s30;
	s7 =	sadd.s32 $0x5F00, s30  }
.LBB2_1:
0xd: {  	[tilespmem:s3], [sflag:$0x3] =	stream.linear.gather [hbm4b:s4+s3], $0xA00, $0x38;
	[tilespmem:$0x5C00] =	vst v63  }
0xe: {  	_ =	swait.ge [sflag:s9], $0xA00  }
0xf: {  	[sflag:s9] =	ssyncset.done $0x0  }
0x10: {  	[sflag:s9] =	ssyncadd.s32 $0xFFFFF600  }
0x11: {  	[tilespmem:s11], [sflag:$0x1] =	stream.indirect.gather [hbm4b:s2+s10], $0x80, s3, s10, $0xb8;
	[tilespmem:$0x5C00] =	vst v63  }
0x12: {  	s17 =	simm.s32 $0x80  }
0x13: {  	[tilespmem:s12], [sflag:$0x2] =	stream.indirect.gather [hbm4b:s2+s10], $0x80, s17, s10, $0xb8;
	[tilespmem:$0x5C00] =	vst v63  }
0x14: {  	_ =	swait.ge [sflag:s13], $0x2800  }
0x15: {  	[sflag:s13] =	ssyncset.done $0x0  }
0x16: {  	s18 =	sadd.s32 $0x0, s8;
	[sflag:s13] =	ssyncadd.s32 $0xFFFFD800  }
0x17: {  	[hbm4b:s18+s3] =	stream.linear.scatter [tilespmem:s11], [sflag:$0x3], $0x2800, $0x38;
	[tilespmem:$0x5C00] =	vst v63  }
0x18: {  	_ =	swait.ge [sflag:s9], $0x2800  }
0x19: {  	[sflag:s9] =	ssyncset.done $0x0  }
0x1a: {  	s19 =	simm.s32 $0x100;
	[sflag:s9] =	ssyncadd.s32 $0xFFFFD800  }
0x1b: {  	[tilespmem:s11], [sflag:$0x1] =	stream.indirect.gather [hbm4b:s2+s10], $0x80, s19, s10, $0xb8;
	[tilespmem:$0x5C00] =	vst v63  }
0x1c: {  	_ =	swait.ge [sflag:s14], $0x2800  }
0x1d: {  	[sflag:s14] =	ssyncset.done $0x0  }
0x1e: {  	s18 =	sadd.s32 $0x500, s18;
	[sflag:s14] =	ssyncadd.s32 $0xFFFFD800  }
0x1f: {  	[hbm4b:s18+s3] =	stream.linear.scatter [tilespmem:s12], [sflag:$0x3], $0x2800, $0x38;
	[tilespmem:$0x5C00] =	vst v63  }
0x20: {  	_ =	swait.ge [sflag:s9], $0x2800  }
0x21: {  	s18 =	simm.s32 $0xA00;
	[sflag:s9] =	ssyncset.done $0x0  }
.LBB2_2:
0x22: {  	p0 =	sne.s32 s18, $0x5000;
	[sflag:s9] =	ssyncadd.s32 $0xFFFFD800;
	s17 =	sadd.s32 $0x100, s17  }
0x23: {  	[tilespmem:s12], [sflag:$0x2] =	stream.indirect.gather [hbm4b:s2+s10], $0x80, s17, s10, $0xb8;
	[tilespmem:$0x5C00] =	vst v63  }
0x24: {  	s19 =	smov.u32 s18;
	s18 =	sadd.s32 $0xA00, s18;
	_ =	swait.ge [sflag:s13], $0x2800  }
0x25: {  	[sflag:s13] =	ssyncset.done $0x0  }
0x26: {  	s19 =	sadd.s32 s19, s8;
	[sflag:s13] =	ssyncadd.s32 $0xFFFFD800  }
0x27: {  	[hbm4b:s19+s3] =	stream.linear.scatter [tilespmem:s11], [sflag:$0x3], $0x2800, $0x38;
	[tilespmem:$0x5C00] =	vst v63  }
0x28: {  	_ =	swait.ge [sflag:s9], $0x2800  }
0x29: {  	[sflag:s9] =	ssyncset.done $0x0  }
0x2a: {  	s20 =	sadd.s32 $0x80, s17;
	[sflag:s9] =	ssyncadd.s32 $0xFFFFD800  }
0x2b: {  	[tilespmem:s11], [sflag:$0x1] =	stream.indirect.gather [hbm4b:s2+s10], $0x80, s20, s10, $0xb8;
	[tilespmem:$0x5C00] =	vst v63  }
0x2c: {  	_ =	swait.ge [sflag:s14], $0x2800  }
.Ltmp0:
0x2d: {  	[sflag:s14] =	ssyncset.done $0x0;
	(pc) =	sbr.rel @p0 .LBB2_2-.Ltmp0, $4  }
0x2e: {  	s19 =	sadd.s32 $0x500, s19;
	[sflag:s14] =	ssyncadd.s32 $0xFFFFD800  }
0x2f: {  	[hbm4b:s19+s3] =	stream.linear.scatter [tilespmem:s12], [sflag:$0x3], $0x2800, $0x38;
	[tilespmem:$0x5C00] =	vst v63  }
0x30: {  	_ =	swait.ge [sflag:s9], $0x2800  }
0x31: {  	[sflag:s9] =	ssyncset.done $0x0  }
0x32: {  	[sflag:s9] =	ssyncadd.s32 $0xFFFFD800  }
0x33: {  	[tilespmem:s12], [sflag:$0x2] =	stream.indirect.gather [hbm4b:s2+s10], $0x80, s15, s10, $0xb8;
	[tilespmem:$0x5C00] =	vst v63  }
0x34: {  	_ =	swait.ge [sflag:s13], $0x2800  }
0x35: {  	[sflag:s13] =	ssyncset.done $0x0  }
0x36: {  	[sflag:s13] =	ssyncadd.s32 $0xFFFFD800  }
0x37: {  	[hbm4b:s6+s3] =	stream.linear.scatter [tilespmem:s11], [sflag:$0x3], $0x2800, $0x38;
	[tilespmem:$0x5C00] =	vst v63  }
0x38: {  	_ =	swait.ge [sflag:s9], $0x2800  }
0x39: {  	[sflag:s9] =	ssyncset.done $0x0  }
0x3a: {  	[sflag:s9] =	ssyncadd.s32 $0xFFFFD800  }
0x3b: {  	s16 =	sadd.s32 $0x1, s16;
	_ =	swait.ge [sflag:s14], $0x2800  }
0x3c: {  	p0 =	sne.s32 s16, s5;
	[sflag:s14] =	ssyncset.done $0x0  }
.Ltmp1:
0x3d: {  	[sflag:s14] =	ssyncadd.s32 $0xFFFFD800;
	(pc) =	sbr.rel @p0 .LBB2_1-.Ltmp1, $4  }
0x3e: {  	[hbm4b:s7+s3] =	stream.linear.scatter [tilespmem:s12], [sflag:$0x3], $0x2800, $0x38;
	[tilespmem:$0x5C00] =	vst v63  }
0x3f: {  	_ =	swait.ge [sflag:s9], $0x2800  }
0x40: {  	[sflag:s9] =	ssyncset.done $0x0  }
0x41: {  	[sflag:s9] =	ssyncadd.s32 $0xFFFFD800  }
0x42: {  	_ =	sfence.sel $0x180000  }
0x43: {  	[bflag:$0x0] =	sbarrier.arrive $0xFFFF  }
0x44: {  	p0 =	sne.s32 s0, $0x0;
	_ =	strace $0x9000004A  }
0x45: {  	s0 =	sadd.s32 @!p0 $0x100000, s1;
	[bflag:$0x2] =	sbarrier.arrive $0xFFFF  }
0x46: {  	[sflag:s0] =	ssyncadd.tile.s32 @!p0 $0x1;
	_ =	shalt  }
.Lfunc_end2:
_tile_overlayer_lowered:
.L_overlay_start_2:
0x47: {  	(tag) =	ssettag $0x2  }
0x48: {  	s0 =	rddreg [dreg:$0x0];
	s2 =	stileid.u32  }
0x49: {  	s1 =	rddreg [dreg:$0x1];
	p0 =	sne.s32 s2, $0x0  }
0x4a: {  	s3 =	rddreg [dreg:$0x2];
	[bflag:$0x3] =	sbarrier.arrive $0xFFFF;
	s2 =	simm.s32 @!p0 $0x1C03  }
0x4b: {  	[timem:s3], [sflag:s2] =	dma.local @!p0 [hbm:s0], s1  }
0x4c: {  	s0 =	simm.s32 @!p0 $0x3  }
0x4d: {  	_ =	swait.ge @!p0 [sflag:s0], s1  }
0x4e: {  	s1 =	ssub.s32 @!p0 $0x0, s1;
	[sflag:s0] =	ssyncset.done @!p0 $0x0  }
0x4f: {  	[sflag:s0] =	ssyncadd.s32 @!p0 s1  }
0x50: {  	[bflag:$0x3] =	sbarrier.arrive $0xFFFF  }
0x51: {  	_ =	shalt  }

// kernel: kernel.19.cloned.1.call-start
scs
__scs_entry_jumppad:
0x0: {  	(pc) =	sbr.rel $0x88, $3  }
0x1: {  	(tag) =	ssettag $0x0;
	lr =	simm.s32 $0x1  }
0x2: {  	[smem:$0x3F9C] =	sst lr;
	_ =	strace $0xD0000000  }
0x3: {  	_ = 	snop  }
0x4: {  	_ = 	snop  }
0x5: {  	_ = 	snop  }
0x6: {  	_ = 	snop  }
0x7: {  	_ = 	snop  }
__scs_overlays_trampoline_lowered:
0x8: {  	[smem:$0x3FAB] =	sst s0  }
0x9: {  	[smem:$0x3FAC] =	sst s1  }
0xa: {  	[smem:$0x3FAD] =	sst s2  }
0xb: {  	[smem:$0x3FAE] =	sst s3  }
0xc: {  	[smem:$0x3FAF] =	sst s4  }
0xd: {  	[smem:$0x3FB0] =	sst s5  }
0xe: {  	[smem:$0x3FB1] =	sst s6  }
0xf: {  	[smem:$0x3FB2] =	sst s7  }
0x10: {  	[smem:$0x3FB3] =	sst s8  }
0x11: {  	[smem:$0x3FB4] =	sst s9;
	s0 =	simm.s32 @!p0 $0x0  }
0x12: {  	s1 =	sld [smem:$0x3F9A];
	s0 =	simm.s32 @p0 $0x1  }
0x13: {  	[smem:$0x3FB5] =	sst s0;
	s0 =	simm.s32 @!p1 $0x0  }
0x14: {  	s2 =	sld [smem:$0x3F99];
	s0 =	simm.s32 @p1 $0x1  }
0x15: {  	[smem:$0x3FB6] =	sst s0;
	s0 =	simm.s32 @!p2 $0x0  }
0x16: {  	s3 =	sld [smem:$0x3FDB];
	s0 =	simm.s32 @p2 $0x1  }
0x17: {  	s4 =	simm.s32 $0x1BF5;
	[smem:$0x3FB8] =	sst s0  }
0x18: {  	s0 =	sld [smem:$0x3F9B];
	_ =	swait.ge [sflag:s4], $0x0  }
0x19: {  	s7 =	sld [smem:$0x3F9C]  }
0x1a: {  	s8 =	sadd.s32 $0xFFFFE003, lr  }
0x1b: {  	s9 =	sadd.s32 $0xFFFFFEF7, lr;
	s5 =	simm.s32 $0xFFFFFFFF;
	p2 =	slt.u32 s8, $0xFFFFF086  }
0x1c: {  	p1 =	slt.u32 s9, $0xF7A;
	s5 =	simm.s32 @!p2 $0x0  }
0x1d: {  	s5 =	simm.s32 @p1 $0x1;
	p0 =	seq.s32 s7, s2  }
0x1e: {  	s7 =	smul.u32 @!p0 $0xF7A, s2;
	p2 =	seq.s32 @!p0 s5, $0x0  }
0x1f: {  	s9 =	smul.u32 $0xF7A, s1;
	s8 =	simm.s32 @!p0 $0x1BF5;
	p2 =	por !p2, p0  }
0x20: {  	[sflag:s8] =	ssyncset.s32 @!p0 $0xFFFFF086;
	s6 =	sadd.s32 @!p0 s3, s7;
	s7 =	simm.s32 @!p0 $0x108  }
0x21: {  	s3 =	sadd.s32 s3, s9;
	s6 =	sadd.s32 @!p0 $0x88, s6;
	s7 =	simm.s32 @p2 $0x1082  }
0x22: {  	[simem:s7], [sflag:s8] =	dma.local @!p0 [hbm:s6], $0xF7A  }
0x23: {  	s9 =	sor.u32 $0xD0000000, s2;
	s6 =	simm.s32 $0x108;
	_ =	swait.ge @!p0 [sflag:s8], $0x0  }
0x24: {  	s3 =	sadd.s32 $0x88, s3;
	s6 =	simm.s32 @!p1 $0x1082;
	[sflag:s4] =	ssyncset.s32 $0xFFFFF086  }
0x25: {  	[simem:s6], [sflag:s4] =	dma.local [hbm:s3], $0xF7A  }
0x26: {  	[smem:$0x3F9C] =	sst s1;
	(tag) =	ssettag s2;
	_ =	strace s9  }
0x27: {  	s1 =	sld [smem:$0x3FAC]  }
0x28: {  	s2 =	sld [smem:$0x3FAD]  }
0x29: {  	s4 =	sld [smem:$0x3FAF]  }
0x2a: {  	p0 =	seq.s32 s5, $0x0;
	s5 =	sld [smem:$0x3FB0]  }
0x2b: {  	s6 =	sld [smem:$0x3FB1]  }
0x2c: {  	s7 =	sld [smem:$0x3FB2]  }
0x2d: {  	s3 =	simm.s32 $0x108;
	s8 =	sld [smem:$0x3FB3]  }
0x2e: {  	s3 =	simm.s32 @!p0 $0x1082;
	s9 =	sld [smem:$0x3FB4]  }
0x2f: {  	lr =	sadd.s32 s0, s3;
	s0 =	sld [smem:$0x3FAB]  }
0x30: {  	s3 =	sld [smem:$0x3FAE]  }
0x31: {  	[smem:$0x3FB7] =	sst s10  }
0x32: {  	s10 =	sld [smem:$0x3FB5];
	_ =	sdelay $0x3  }
0x33: {  	p0 =	seq.s32 s10, $0x1;
	s10 =	sld [smem:$0x3FB7];
	_ =	sdelay $0x3  }
0x34: {  	[smem:$0x3FB7] =	sst s10  }
0x35: {  	s10 =	sld [smem:$0x3FB6];
	_ =	sdelay $0x3  }
0x36: {  	p1 =	seq.s32 s10, $0x1;
	s10 =	sld [smem:$0x3FB7];
	_ =	sdelay $0x3  }
0x37: {  	[smem:$0x3FB7] =	sst s10  }
0x38: {  	s10 =	sld [smem:$0x3FB8]  }
0x39: {  	_ = 	snop;
	(pc) =	sbr.ind lr, $3  }
0x3a: {  	_ = 	snop  }
0x3b: {  	_ = 	snop  }
0x3c: {  	p2 =	seq.s32 s10, $0x1;
	s10 =	sld [smem:$0x3FB7]  }
0x3d: {  	_ =	shalt  }
0x3e: {  	_ =	shalt  }
0x3f: {  	_ =	shalt  }
0x40: {  	_ =	shalt  }
0x41: {  	_ =	shalt  }
0x42: {  	_ =	shalt  }
0x43: {  	_ =	shalt  }
0x44: {  	_ =	shalt  }
0x45: {  	_ =	shalt  }
0x46: {  	_ =	shalt  }
0x47: {  	_ =	shalt  }
0x48: {  	_ =	shalt  }
0x49: {  	_ =	shalt  }
0x4a: {  	_ =	shalt  }
0x4b: {  	_ =	shalt  }
0x4c: {  	_ =	shalt  }
0x4d: {  	_ =	shalt  }
0x4e: {  	_ =	shalt  }
0x4f: {  	_ =	shalt  }
0x50: {  	_ =	shalt  }
0x51: {  	_ =	shalt  }
0x52: {  	_ =	shalt  }
0x53: {  	_ =	shalt  }
0x54: {  	_ =	shalt  }
0x55: {  	_ =	shalt  }
0x56: {  	_ =	shalt  }
0x57: {  	_ =	shalt  }
0x58: {  	_ =	shalt  }
0x59: {  	_ =	shalt  }
0x5a: {  	_ =	shalt  }
0x5b: {  	_ =	shalt  }
0x5c: {  	_ =	shalt  }
0x5d: {  	_ =	shalt  }
0x5e: {  	_ =	shalt  }
0x5f: {  	_ =	shalt  }
0x60: {  	_ =	shalt  }
0x61: {  	_ =	shalt  }
0x62: {  	_ =	shalt  }
0x63: {  	_ =	shalt  }
0x64: {  	_ =	shalt  }
0x65: {  	_ =	shalt  }
0x66: {  	_ =	shalt  }
0x67: {  	_ =	shalt  }
0x68: {  	_ =	shalt  }
0x69: {  	_ =	shalt  }
0x6a: {  	_ =	shalt  }
0x6b: {  	_ =	shalt  }
0x6c: {  	_ =	shalt  }
0x6d: {  	_ =	shalt  }
0x6e: {  	_ =	shalt  }
0x6f: {  	_ =	shalt  }
0x70: {  	_ =	shalt  }
0x71: {  	_ =	shalt  }
0x72: {  	_ =	shalt  }
0x73: {  	_ =	shalt  }
0x74: {  	_ =	shalt  }
0x75: {  	_ =	shalt  }
0x76: {  	_ =	shalt  }
0x77: {  	_ =	shalt  }
0x78: {  	_ =	shalt  }
0x79: {  	_ =	shalt  }
0x7a: {  	_ =	shalt  }
0x7b: {  	_ =	shalt  }
0x7c: {  	_ =	shalt  }
0x7d: {  	_ =	shalt  }
0x7e: {  	_ =	shalt  }
0x7f: {  	_ =	shalt  }
0x80: {  	_ =	shalt  }
0x81: {  	_ =	shalt  }
0x82: {  	_ =	shalt  }
0x83: {  	_ =	shalt  }
0x84: {  	_ =	shalt  }
0x85: {  	_ =	shalt  }
0x86: {  	_ =	shalt  }
0x87: {  	_ =	shalt  }
.Lfunc_end0:
.L_simem_size_0:
called_computation.3_lowered:
.L_overlay_start_0:
0x88: {  	s2 =	sld [smem:$0x3FD9]  }
0x89: {  	s3 =	sld [smem:$0x3FFE];
	_ =	sdelay $0x1  }
0x8a: {  	s1 =	srdreg.scid  }
0x8b: {  	s0 =	sand.u32 $0x1, s1  }
0x8c: {  	s17 =	sshll.u32 s0, $0xA;
	s2 =	sadd.s32 s3, s2  }
0x8d: {  	s2 =	sadd.s32 s2, s17  }
0x8e: {  	[smem:$0x3FC3] =	sst s2  }
0x8f: {  	_ = 	snop  }
0x90: {  	s2 =	sld [smem:$0x3FC8];
	(tm) =	ssettm $0x1  }
0x91: {  	s18 =	sld [smem:$0x3FFB];
	_ =	sdelay $0x3  }
0x92: {  	_ =	strace s18  }
0x93: {  	s3 =	sld [smem:$0x3FFC];
	_ =	sdelay $0x3  }
0x94: {  	_ =	strace s3  }
0x95: {  	s3 =	sld [smem:$0x3FFD];
	_ =	sdelay $0x3  }
0x96: {  	_ =	strace s3  }
0x97: {  	_ =	strace $0x8FFFFFFF  }
0x98: {  	s19 =	sld [smem:$0x3FDB];
	_ =	sdelay $0x1  }
0x99: {  	s4 =	simm.s32 $_scs_section_size  }
0x9a: {  	s5 =	simm.s32 $_size__tile_overlayer_lowered;
	s6 =	simm.s32 $_tile_overlayer_lowered  }
0x9b: {  	s22 =	simm.s32 $0x1BFF;
	s21 =	sshll.u32 s6, $0x1;
	s3 =	sadd.s32 s4, s19  }
0x9c: {  	s7 =	simm.s32 $0x0;
	s20 =	sshll.u32 s5, $0x1;
	s5 =	sadd.s32 s21, s3  }
0x9d: {  	[timem:s7], [sflag:s22] =	dma.local [hbm:s5], s20  }
0x9e: {  	_ =	swait.ge [sflag:s22], s20  }
0x9f: {  	s4 =	ssub.s32 $0x0, s20;
	[sflag:s22] =	ssyncset.done $0x0  }
0xa0: {  	[sflag:s22] =	ssyncadd.s32 s4;
	_ =	sdelay $0x1  }
0xa1: {  	s23 =	simm.s32 $0x1B8B  }
0xa2: {  	_ =	swait.ge [sflag:s23], $0x1  }
0xa3: {  	[sflag:s23] =	ssyncset.done $0x0  }
0xa4: {  	s25 =	simm.s32 $0x1B8E;
	s24 =	sld [smem:$0x3FFE];
	[sflag:s23] =	ssyncadd.s32 $0xFFFFFFFF  }
0xa5: {  	s26 =	simm.s32 $execute0_lowered;
	[smem:$0x3FD2] =	sst s25  }
0xa6: {  	s5 =	sshll.u32 s26, $0x1;
	_ =	strace $0x80000046;
	[dreg:$0x1] =	wrdreg $0xFFFFFFFF  }
0xa7: {  	s28 =	simm.s32 $_size_execute0_lowered;
	s3 =	sadd.s32 s3, s5;
	[dreg:$0x0] =	wrdreg $0x0  }
0xa8: {  	s5 =	sshll.u32 s28, $0x1;
	[dreg:$0x2] =	wrdreg s3  }
0xa9: {  	[dreg:$0x3] =	wrdreg s5  }
0xaa: {  	[dreg:$0x4] =	wrdreg $0xC0  }
0xab: {  	_ =	task [dreg:s7], $0x5FFFF  }
0xac: {  	[dreg:$0x1] =	wrdreg $0xFFFFFFFF  }
0xad: {  	[dreg:$0x0] =	wrdreg $0x60  }
0xae: {  	[dreg:$0x2] =	wrdreg s24  }
0xaf: {  	[dreg:$0x3] =	wrdreg s2  }
0xb0: {  	[dreg:$0x4] =	wrdreg $0xC  }
0xb1: {  	_ =	task.clear_ibuf [dreg:s7], $0x5FFFF;
	_ =	strace $0x90000046  }
0xb2: {  	s29 =	simm.s32 $0xC;
	_ =	strace $0x80000048  }
0xb3: {  	_ =	swait.ge [sflag:s29], $0x1  }
0xb4: {  	[sflag:s29] =	ssyncadd.s32 $0xFFFFFFFF  }
0xb5: {  	_ =	strace $0x90000048  }
0xb6: {  	_ =	sfence  }
0xb7: {  	s30 =	sld [smem:$0x0];
	_ =	sdelay $0x2  }
0xb8: {  	s31 =	sshll.u32 s1, $0xD;
	s1 =	sshrl.u32 s1, $0x2  }
0xb9: {  	s3 =	sand.u32 $0x4000, s31;
	s1 =	sadd.s32 s1, s30  }
0xba: {  	s0 =	sor.u32 s3, s0;
	s1 =	sshll.u32 s1, $0x11  }
0xbb: {  	s0 =	sor.u32 s1, s0  }
0xbc: {  	s0 =	sadd.s32 $0x8F2B, s0  }
0xbd: {  	[sflag:s0] =	ssyncadd.remote.s32 $0x1  }
0xbe: {  	_ =	sfence.sel $0xFFFF  }
0xbf: {  	[dreg:$0x0] =	wrdreg $0xFFFFFFFF;
	(pc) =	sbr.abs _section_cstart, $3  }
0xc0: {  	[dreg:$0x1] =	wrdreg $0xFFFFFFFF  }
0xc1: {  	_ =	task.clear_ibuf [dreg:s7], $0x2FFFF;
	_ =	strace $0x9FFFFFFF  }
0xc2: {  	(tm) =	ssettm $0x7FFFFFFF  }
0xc3: {  	_ =	shalt  }
tec
execute0_lowered:
.L_overlay_start_1:
0x0: {  	(tag) =	ssettag $0x1  }
0x1: {  	s1 =	srdreg.scid;
	s4 =	rddreg [dreg:$0x0]  }
0x2: {  	s0 =	stileid.u32;
	s2 =	rddreg [dreg:$0x1];
	s3 =	simm.s32 $0x0  }
0x3: {  	s11 =	simm.s32 $0xC00;
	s12 =	simm.s32 $0x3400;
	s13 =	simm.s32 $0x1  }
0x4: {  	s14 =	simm.s32 $0x2;
	s15 =	simm.s32 $0x980;
	s16 =	simm.s32 $0x0  }
0x5: {  	s6 =	sand.u32 $0x1, s1;
	s25 =	sshll.u32 s0, $0x1;
	s1 =	rddreg [dreg:$0x2]  }
0x6: {  	[smem:$0x7FF] =	sst s3;
	s29 =	smul.u32 $0xC800, s0;
	s5 =	sor.u32 s6, s25  }
0x7: {  	s9 =	sadd.s32 $0xAE00, s4;
	s8 =	ssub.s32 $0x2, s6;
	s7 =	smul.u32 $0x180, s5  }
0x8: {  	_ =	strace $0x80000047;
	s26 =	sshrl.u32 s8, $0x1;
	s10 =	smul.u32 $0x6400, s5  }
0x9: {  	s31 =	smul.u32 $0x6400, s6;
	s28 =	ssub.s32 s8, s26;
	s8 =	sadd.s32 s29, s9  }
0xa: {  	s7 =	sadd.s32 s7, s4;
	s5 =	smax.u32 s28, $0x1;
	s30 =	sadd.s32 s9, s10  }
0xb: {  	s8 =	sadd.s32 s31, s8;
	s9 =	simm.s32 $0x3;
	s10 =	simm.s32 $0x50  }
0xc: {  	s4 =	sadd.s32 $0x1E00, s7;
	s6 =	sadd.s32 $0x5A00, s30;
	s7 =	sadd.s32 $0x5F00, s30  }
.LBB2_1:
0xd: {  	[tilespmem:s3], [sflag:$0x3] =	stream.linear.gather [hbm4b:s4+s3], $0xA00, $0x38;
	[tilespmem:$0x5C00] =	vst v63  }
0xe: {  	_ =	swait.ge [sflag:s9], $0xA00  }
0xf: {  	[sflag:s9] =	ssyncset.done $0x0  }
0x10: {  	[sflag:s9] =	ssyncadd.s32 $0xFFFFF600  }
0x11: {  	[tilespmem:s11], [sflag:$0x1] =	stream.indirect.gather [hbm4b:s2+s10], $0x80, s3, s10, $0xb8;
	[tilespmem:$0x5C00] =	vst v63  }
0x12: {  	s17 =	simm.s32 $0x80  }
0x13: {  	[tilespmem:s12], [sflag:$0x2] =	stream.indirect.gather [hbm4b:s2+s10], $0x80, s17, s10, $0xb8;
	[tilespmem:$0x5C00] =	vst v63  }
0x14: {  	_ =	swait.ge [sflag:s13], $0x2800  }
0x15: {  	[sflag:s13] =	ssyncset.done $0x0  }
0x16: {  	s18 =	sadd.s32 $0x0, s8;
	[sflag:s13] =	ssyncadd.s32 $0xFFFFD800  }
0x17: {  	[hbm4b:s18+s3] =	stream.linear.scatter [tilespmem:s11], [sflag:$0x3], $0x2800, $0x38;
	[tilespmem:$0x5C00] =	vst v63  }
0x18: {  	_ =	swait.ge [sflag:s9], $0x2800  }
0x19: {  	[sflag:s9] =	ssyncset.done $0x0  }
0x1a: {  	s19 =	simm.s32 $0x100;
	[sflag:s9] =	ssyncadd.s32 $0xFFFFD800  }
0x1b: {  	[tilespmem:s11], [sflag:$0x1] =	stream.indirect.gather [hbm4b:s2+s10], $0x80, s19, s10, $0xb8;
	[tilespmem:$0x5C00] =	vst v63  }
0x1c: {  	_ =	swait.ge [sflag:s14], $0x2800  }
0x1d: {  	[sflag:s14] =	ssyncset.done $0x0  }
0x1e: {  	s18 =	sadd.s32 $0x500, s18;
	[sflag:s14] =	ssyncadd.s32 $0xFFFFD800  }
0x1f: {  	[hbm4b:s18+s3] =	stream.linear.scatter [tilespmem:s12], [sflag:$0x3], $0x2800, $0x38;
	[tilespmem:$0x5C00] =	vst v63  }
0x20: {  	_ =	swait.ge [sflag:s9], $0x2800  }
0x21: {  	s18 =	simm.s32 $0xA00;
	[sflag:s9] =	ssyncset.done $0x0  }
.LBB2_2:
0x22: {  	p0 =	sne.s32 s18, $0x5000;
	[sflag:s9] =	ssyncadd.s32 $0xFFFFD800;
	s17 =	sadd.s32 $0x100, s17  }
0x23: {  	[tilespmem:s12], [sflag:$0x2] =	stream.indirect.gather [hbm4b:s2+s10], $0x80, s17, s10, $0xb8;
	[tilespmem:$0x5C00] =	vst v63  }
0x24: {  	s19 =	smov.u32 s18;
	s18 =	sadd.s32 $0xA00, s18;
	_ =	swait.ge [sflag:s13], $0x2800  }
0x25: {  	[sflag:s13] =	ssyncset.done $0x0  }
0x26: {  	s19 =	sadd.s32 s19, s8;
	[sflag:s13] =	ssyncadd.s32 $0xFFFFD800  }
0x27: {  	[hbm4b:s19+s3] =	stream.linear.scatter [tilespmem:s11], [sflag:$0x3], $0x2800, $0x38;
	[tilespmem:$0x5C00] =	vst v63  }
0x28: {  	_ =	swait.ge [sflag:s9], $0x2800  }
0x29: {  	[sflag:s9] =	ssyncset.done $0x0  }
0x2a: {  	s20 =	sadd.s32 $0x80, s17;
	[sflag:s9] =	ssyncadd.s32 $0xFFFFD800  }
0x2b: {  	[tilespmem:s11], [sflag:$0x1] =	stream.indirect.gather [hbm4b:s2+s10], $0x80, s20, s10, $0xb8;
	[tilespmem:$0x5C00] =	vst v63  }
0x2c: {  	_ =	swait.ge [sflag:s14], $0x2800  }
.Ltmp0:
0x2d: {  	[sflag:s14] =	ssyncset.done $0x0;
	(pc) =	sbr.rel @p0 .LBB2_2-.Ltmp0, $4  }
0x2e: {  	s19 =	sadd.s32 $0x500, s19;
	[sflag:s14] =	ssyncadd.s32 $0xFFFFD800  }
0x2f: {  	[hbm4b:s19+s3] =	stream.linear.scatter [tilespmem:s12], [sflag:$0x3], $0x2800, $0x38;
	[tilespmem:$0x5C00] =	vst v63  }
0x30: {  	_ =	swait.ge [sflag:s9], $0x2800  }
0x31: {  	[sflag:s9] =	ssyncset.done $0x0  }
0x32: {  	[sflag:s9] =	ssyncadd.s32 $0xFFFFD800  }
0x33: {  	[tilespmem:s12], [sflag:$0x2] =	stream.indirect.gather [hbm4b:s2+s10], $0x80, s15, s10, $0xb8;
	[tilespmem:$0x5C00] =	vst v63  }
0x34: {  	_ =	swait.ge [sflag:s13], $0x2800  }
0x35: {  	[sflag:s13] =	ssyncset.done $0x0  }
0x36: {  	[sflag:s13] =	ssyncadd.s32 $0xFFFFD800  }
0x37: {  	[hbm4b:s6+s3] =	stream.linear.scatter [tilespmem:s11], [sflag:$0x3], $0x2800, $0x38;
	[tilespmem:$0x5C00] =	vst v63  }
0x38: {  	_ =	swait.ge [sflag:s9], $0x2800  }
0x39: {  	[sflag:s9] =	ssyncset.done $0x0  }
0x3a: {  	[sflag:s9] =	ssyncadd.s32 $0xFFFFD800  }
0x3b: {  	s16 =	sadd.s32 $0x1, s16;
	_ =	swait.ge [sflag:s14], $0x2800  }
0x3c: {  	p0 =	sne.s32 s16, s5;
	[sflag:s14] =	ssyncset.done $0x0  }
.Ltmp1:
0x3d: {  	[sflag:s14] =	ssyncadd.s32 $0xFFFFD800;
	(pc) =	sbr.rel @p0 .LBB2_1-.Ltmp1, $4  }
0x3e: {  	[hbm4b:s7+s3] =	stream.linear.scatter [tilespmem:s12], [sflag:$0x3], $0x2800, $0x38;
	[tilespmem:$0x5C00] =	vst v63  }
0x3f: {  	_ =	swait.ge [sflag:s9], $0x2800  }
0x40: {  	[sflag:s9] =	ssyncset.done $0x0  }
0x41: {  	[sflag:s9] =	ssyncadd.s32 $0xFFFFD800  }
0x42: {  	_ =	sfence.sel $0x180000  }
0x43: {  	[bflag:$0x0] =	sbarrier.arrive $0xFFFF  }
0x44: {  	p0 =	sne.s32 s0, $0x0;
	_ =	strace $0x90000047  }
0x45: {  	s0 =	sadd.s32 @!p0 $0x100000, s1;
	[bflag:$0x2] =	sbarrier.arrive $0xFFFF  }
0x46: {  	[sflag:s0] =	ssyncadd.tile.s32 @!p0 $0x1;
	_ =	shalt  }
.Lfunc_end2:
_tile_overlayer_lowered:
.L_overlay_start_2:
0x47: {  	(tag) =	ssettag $0x2  }
0x48: {  	s0 =	rddreg [dreg:$0x0];
	s2 =	stileid.u32  }
0x49: {  	s1 =	rddreg [dreg:$0x1];
	p0 =	sne.s32 s2, $0x0  }
0x4a: {  	s3 =	rddreg [dreg:$0x2];
	[bflag:$0x3] =	sbarrier.arrive $0xFFFF;
	s2 =	simm.s32 @!p0 $0x1C03  }
0x4b: {  	[timem:s3], [sflag:s2] =	dma.local @!p0 [hbm:s0], s1  }
0x4c: {  	s0 =	simm.s32 @!p0 $0x3  }
0x4d: {  	_ =	swait.ge @!p0 [sflag:s0], s1  }
0x4e: {  	s1 =	ssub.s32 @!p0 $0x0, s1;
	[sflag:s0] =	ssyncset.done @!p0 $0x0  }
0x4f: {  	[sflag:s0] =	ssyncadd.s32 @!p0 s1  }
0x50: {  	[bflag:$0x3] =	sbarrier.arrive $0xFFFF  }
0x51: {  	_ =	shalt  }

</sc_bundles>
